<compile_context>
chip_gen: v7x
topology: tpu7x:2x2x1
jax: 0.10.2.dev20260603
libtpu: 0.0.44.dev20260713+nightly
codegen_flags: <defaults>
</compile_context>

<pallas_src>
import numpy as np
import jax
import jax.numpy as jnp
from jax.experimental import pallas as pl

B = 32; SEQ = 512; PRED = 96; LABEL = 48; ENC_IN = 7; DMARK = 4
DMODEL = 512; NHEADS = 8; DHEAD = DMODEL // NHEADS; DFF = 2048
ELAYERS = 2; BUCKET = 4; NHASH = 4
T = SEQ + PRED; NBUCKETS = T // BUCKET; NR = NBUCKETS // 2


def _pos_emb_np():
    pos = np.arange(T)[:, None].astype(np.float32)
    div = np.exp(np.arange(0, DMODEL, 2).astype(np.float32) * -(np.log(10000.0) / DMODEL))
    pe = np.zeros((T, DMODEL), dtype=np.float32)
    pe[:, 0::2] = np.sin(pos * div)
    pe[:, 1::2] = np.cos(pos * div)
    return pe


def _layernorm(x, g, b):
    m = jnp.mean(x, axis=-1, keepdims=True)
    xc = x - m
    v = jnp.mean(xc * xc, axis=-1, keepdims=True)
    return xc / jnp.sqrt(v + 1e-5) * g + b


def _embed_body(win_ref, xm_ref, wc_ref, wt_ref, pe_ref, out_ref):
    h = jnp.dot(win_ref[0], wc_ref[...], preferred_element_type=jnp.float32)
    h = h + pe_ref[...]
    out_ref[0] = h + jnp.dot(xm_ref[0], wt_ref[...], preferred_element_type=jnp.float32)


def _qkv_body(h_ref, wqk_ref, wv_ref, qk_ref, v_ref):
    h = h_ref[0]
    qk_ref[0] = jnp.dot(h, wqk_ref[...], preferred_element_type=jnp.float32)
    v_ref[0] = jnp.dot(h, wv_ref[...], preferred_element_type=jnp.float32)


def _lsh_one_head(qk, v, bkts, iota_col, col_idx, eye):
    t, d = T, DHEAD
    qv = jnp.concatenate([qk, v], axis=1)

    perms, sq_l, sv_l, st_l = [], [], [], []
    for h in range(NHASH):
        bkt = bkts[h]
        key = (bkt * t + iota_col).astype(jnp.float32)
        key_row = jax.lax.dot_general(key, eye, (((0,), (0,)), ((), ())),
                                      preferred_element_type=jnp.float32,
                                      precision=jax.lax.Precision.HIGHEST)
        pos = jnp.sum((key_row < key).astype(jnp.int32), axis=1, keepdims=True)
        q1h = (col_idx == pos).astype(jnp.float32)
        perms.append(q1h)
        s = jax.lax.dot_general(q1h, qv, (((0,), (0,)), ((), ())),
                                preferred_element_type=jnp.float32,
                                precision=jax.lax.Precision.HIGHEST)
        stp = jax.lax.dot_general(q1h, iota_col.astype(jnp.float32),
                                  (((0,), (0,)), ((), ())),
                                  preferred_element_type=jnp.float32,
                                  precision=jax.lax.Precision.HIGHEST)
        sq_l.append(s[:, :d]); sv_l.append(s[:, d:]); st_l.append(stp)

    sq = jnp.concatenate(sq_l, axis=0)
    sv = jnp.concatenate(sv_l, axis=0)
    st = jnp.concatenate(st_l, axis=0)
    sk = sq / (jnp.sqrt(jnp.sum(sq * sq, axis=1, keepdims=True)) + 1e-9)

    n = NHASH * t
    nc = n // BUCKET
    sq3 = sq.reshape(nc, BUCKET, d)
    sk3 = sk.reshape(nc, BUCKET, d)
    sv3 = sv.reshape(nc, BUCKET, d)
    st2 = st.reshape(nc, BUCKET)

    def roll1(x):
        return jnp.concatenate([x[-1:], x[:-1]], axis=0)

    k8 = jnp.concatenate([sk3, roll1(sk3)], axis=1)
    v8 = jnp.concatenate([sv3, roll1(sv3)], axis=1)
    st8 = jnp.concatenate([st2, roll1(st2)], axis=1)

    bf = lambda z: z.astype(jnp.bfloat16).astype(jnp.float32)
    k8d = bf(k8)
    v8p = bf(v8)
    bo_l = []
    for i in range(BUCKET):
        qi = bf(sq3[:, i:i + 1, :])
        dots = jnp.sum(qi * k8d, axis=2) * 0.125
        dots = jnp.where(st8 == st2[:, i:i + 1], -5e4, dots)
        mx = jnp.max(dots, axis=1, keepdims=True)
        e = jnp.exp(dots - mx)
        se = jnp.sum(e, axis=1, keepdims=True)
        lse_i = mx + jnp.log(se)
        p = bf(e / se)
        bo_i = jnp.sum(p[:, :, None] * v8p, axis=1)
        bo_l.append(jnp.concatenate([bo_i, lse_i], axis=1)[:, None, :])

    so = jnp.concatenate(bo_l, axis=1).reshape(n, d + 1)

    o_l, l_l = [], []
    for h in range(NHASH):
        u = jnp.dot(perms[h], so[h * t:(h + 1) * t],
                    preferred_element_type=jnp.float32,
                    precision=jax.lax.Precision.HIGHEST)
        o_l.append(u[:, :d]); l_l.append(u[:, d:d + 1])

    logits = jnp.concatenate(l_l, axis=1)
    mh = jnp.max(logits, axis=1, keepdims=True)
    w = jnp.exp(logits - mh)
    w = w / jnp.sum(w, axis=1, keepdims=True)
    return w[:, 0:1] * o_l[0] + w[:, 1:2] * o_l[1] + w[:, 2:3] * o_l[2] + w[:, 3:4] * o_l[3]


def _lsh_body(qk_ref, v_ref, bkt_ref, o_ref):
    t = T
    iota_col = jax.lax.broadcasted_iota(jnp.int32, (t, 1), 0)
    col_idx = jax.lax.broadcasted_iota(jnp.int32, (t, t), 1)
    row_idx = jax.lax.broadcasted_iota(jnp.int32, (t, t), 0)
    eye = (row_idx == col_idx).astype(jnp.float32)
    bkts = [bkt_ref[0, h] for h in range(NHASH)]
    o_ref[0] = _lsh_one_head(qk_ref[0], v_ref[0], bkts, iota_col, col_idx, eye)


def _post_body(h_ref, o_ref, wo_ref, bo_ref, c1_ref, b1_ref, c2_ref, b2_ref,
               g1_ref, be1_ref, g2_ref, be2_ref, out_ref):
    h = h_ref[0]
    att = jnp.dot(o_ref[0], wo_ref[...], preferred_element_type=jnp.float32) + bo_ref[...]
    h1 = _layernorm(h + att, g1_ref[...], be1_ref[...])
    y = jnp.dot(h1, c1_ref[...], preferred_element_type=jnp.float32) + b1_ref[...]
    y = jax.nn.gelu(y)
    y = jnp.dot(y, c2_ref[...], preferred_element_type=jnp.float32) + b2_ref[...]
    out_ref[0] = _layernorm(h1 + y, g2_ref[...], be2_ref[...])


def _final_body(h_ref, g_ref, b_ref, pw_ref, pb_ref, out_ref):
    x = _layernorm(h_ref[0], g_ref[...], b_ref[...])
    out_ref[0] = jnp.dot(x, pw_ref[...], preferred_element_type=jnp.float32) + pb_ref[...]


def _const_spec(shape):
    return pl.BlockSpec(shape, lambda *_: tuple(0 for _ in shape))


def kernel(x_enc, x_mark_enc, x_dec, x_mark_dec, params):
    p = params
    x = jnp.concatenate([x_enc, x_dec[:, -PRED:, :]], axis=1)
    xm = jnp.concatenate([x_mark_enc, x_mark_dec[:, -PRED:, :]], axis=1)
    xp = jnp.concatenate([x[:, -1:], x, x[:, :1]], axis=1)
    win = jnp.stack([xp[:, 0:T], xp[:, 1:T + 1], xp[:, 2:T + 2]], axis=2)
    win = win.reshape(B, T, 3 * ENC_IN)
    wc = jnp.transpose(p['token_conv_w'], (2, 1, 0)).reshape(3 * ENC_IN, DMODEL)
    wt = jnp.transpose(p['time_w'])
    pe = jnp.asarray(_pos_emb_np())

    row3 = lambda bt, bd: pl.BlockSpec((1, bt, bd), lambda b: (b, 0, 0))

    h = pl.pallas_call(
        _embed_body,
        grid=(B,),
        in_specs=[row3(T, 3 * ENC_IN), row3(T, DMARK),
                  _const_spec((3 * ENC_IN, DMODEL)), _const_spec((DMARK, DMODEL)),
                  _const_spec((T, DMODEL))],
        out_specs=row3(T, DMODEL),
        out_shape=jax.ShapeDtypeStruct((B, T, DMODEL), jnp.float32),
    )(win, xm, wc, wt, pe)

    for lp in p['layers']:
        qk, v = pl.pallas_call(
            _qkv_body,
            grid=(B,),
            in_specs=[row3(T, DMODEL), _const_spec((DMODEL, DMODEL)),
                      _const_spec((DMODEL, DMODEL))],
            out_specs=[row3(T, DMODEL), row3(T, DMODEL)],
            out_shape=[jax.ShapeDtypeStruct((B, T, DMODEL), jnp.float32)] * 2,
        )(h, jnp.transpose(lp['w_qk']), jnp.transpose(lp['w_v']))

        qkh = qk.reshape(B, T, NHEADS, DHEAD).transpose(0, 2, 1, 3).reshape(B * NHEADS, T, DHEAD)
        vh = v.reshape(B, T, NHEADS, DHEAD).transpose(0, 2, 1, 3).reshape(B * NHEADS, T, DHEAD)
        rotated = jnp.einsum('btd,dhr->bhtr', qkh, lp['rot'])
        rotated = jnp.concatenate([rotated, -rotated], axis=-1)
        buckets = jnp.argmax(rotated, axis=-1).astype(jnp.int32)
        buckets = buckets[..., None]
        oh = pl.pallas_call(
            _lsh_body,
            grid=(B * NHEADS,),
            in_specs=[row3(T, DHEAD), row3(T, DHEAD),
                      pl.BlockSpec((1, NHASH, T, 1), lambda b: (b, 0, 0, 0))],
            out_specs=row3(T, DHEAD),
            out_shape=jax.ShapeDtypeStruct((B * NHEADS, T, DHEAD), jnp.float32),
        )(qkh, vh, buckets)
        o = oh.reshape(B, NHEADS, T, DHEAD).transpose(0, 2, 1, 3).reshape(B, T, DMODEL)

        h = pl.pallas_call(
            _post_body,
            grid=(B,),
            in_specs=[row3(T, DMODEL), row3(T, DMODEL),
                      _const_spec((DMODEL, DMODEL)), _const_spec((1, DMODEL)),
                      _const_spec((DMODEL, DFF)), _const_spec((1, DFF)),
                      _const_spec((DFF, DMODEL)), _const_spec((1, DMODEL)),
                      _const_spec((1, DMODEL)), _const_spec((1, DMODEL)),
                      _const_spec((1, DMODEL)), _const_spec((1, DMODEL))],
            out_specs=row3(T, DMODEL),
            out_shape=jax.ShapeDtypeStruct((B, T, DMODEL), jnp.float32),
        )(h, o, jnp.transpose(lp['w_o']), lp['b_o'][None],
          jnp.transpose(lp['conv1_w']), lp['conv1_b'][None],
          jnp.transpose(lp['conv2_w']), lp['conv2_b'][None],
          lp['ln1_g'][None], lp['ln1_b'][None], lp['ln2_g'][None], lp['ln2_b'][None])

    out = pl.pallas_call(
        _final_body,
        grid=(B,),
        in_specs=[row3(PRED, DMODEL), _const_spec((1, DMODEL)), _const_spec((1, DMODEL)),
                  _const_spec((DMODEL, ENC_IN)), _const_spec((1, ENC_IN))],
        out_specs=row3(PRED, ENC_IN),
        out_shape=jax.ShapeDtypeStruct((B, PRED, ENC_IN), jnp.float32),
    )(h[:, -PRED:], p['lnf_g'][None], p['lnf_b'][None],
      jnp.transpose(p['proj_w']), p['proj_b'][None])
    return out

# --- scband reference (transcript-rebuilt; emitter-appended) ---
"""Pipeline reference for scband-reformer-4896262717676 (READ-ONLY COPY).

The authoritative reference and input builder live on the scoring server;
editing this copy changes nothing except your own understanding.
"""

import jax, jax.numpy as jnp
import numpy as np

B = 32; SEQ = 512; PRED = 96; LABEL = 48; ENC_IN = 7; DMARK = 4
DMODEL = 512; NHEADS = 8; DHEAD = DMODEL // NHEADS; DFF = 2048
ELAYERS = 2; BUCKET = 4; NHASH = 4
T = SEQ + PRED; NBUCKETS = T // BUCKET


def setup_inputs(seed: int = 0):
    key = jax.random.key(seed)
    ks = jax.random.split(key, 16)
    s = 0.02
    inp = {}
    inp['x_enc'] = jax.random.normal(ks[0], (B, SEQ, ENC_IN), dtype=jnp.float32)
    inp['x_mark_enc'] = jax.random.uniform(ks[1], (B, SEQ, DMARK), dtype=jnp.float32)
    inp['x_dec'] = jax.random.normal(ks[2], (B, LABEL + PRED, ENC_IN), dtype=jnp.float32)
    inp['x_mark_dec'] = jax.random.uniform(ks[3], (B, LABEL + PRED, DMARK), dtype=jnp.float32)
    p = {}
    p['token_conv_w'] = jax.random.normal(ks[4], (DMODEL, ENC_IN, 3)) * s
    p['time_w'] = jax.random.normal(ks[5], (DMODEL, DMARK)) * s
    layers = []
    for l in range(ELAYERS):
        kk = jax.random.split(ks[6 + l], 8)
        lp = {}
        lp['w_qk'] = jax.random.normal(kk[0], (DMODEL, DMODEL)) * s
        lp['w_v'] = jax.random.normal(kk[1], (DMODEL, DMODEL)) * s
        lp['w_o'] = jax.random.normal(kk[2], (DMODEL, DMODEL)) * s
        lp['b_o'] = jnp.zeros((DMODEL,), jnp.float32)
        lp['conv1_w'] = jax.random.normal(kk[3], (DFF, DMODEL)) * s
        lp['conv1_b'] = jnp.zeros((DFF,), jnp.float32)
        lp['conv2_w'] = jax.random.normal(kk[4], (DMODEL, DFF)) * s
        lp['conv2_b'] = jnp.zeros((DMODEL,), jnp.float32)
        lp['ln1_g'] = jnp.ones((DMODEL,), jnp.float32)
        lp['ln1_b'] = jnp.zeros((DMODEL,), jnp.float32)
        lp['ln2_g'] = jnp.ones((DMODEL,), jnp.float32)
        lp['ln2_b'] = jnp.zeros((DMODEL,), jnp.float32)
        lp['rot'] = jax.random.normal(kk[5], (DHEAD, NHASH, NBUCKETS // 2))
        layers.append(lp)
    p['layers'] = layers
    p['lnf_g'] = jnp.ones((DMODEL,), jnp.float32)
    p['lnf_b'] = jnp.zeros((DMODEL,), jnp.float32)
    p['proj_w'] = jax.random.normal(ks[10], (ENC_IN, DMODEL)) * s
    p['proj_b'] = jnp.zeros((ENC_IN,), jnp.float32)
    inp['params'] = p
    return inp


def _ln(x, g, b):
    m = jnp.mean(x, axis=-1, keepdims=True)
    v = jnp.var(x, axis=-1, keepdims=True)
    return (x - m) / jnp.sqrt(v + 1e-5) * g + b


def _pos_emb():
    pos = np.arange(T)[:, None].astype(np.float32)
    div = np.exp(np.arange(0, DMODEL, 2).astype(np.float32) * -(np.log(10000.0) / DMODEL))
    pe = np.zeros((T, DMODEL), dtype=np.float32)
    pe[:, 0::2] = np.sin(pos * div)
    pe[:, 1::2] = np.cos(pos * div)
    return jnp.asarray(pe)


def _lsh_attention(qk, v, rot):
    bh, t, d = qk.shape
    rotated = jnp.einsum('btd,dhr->bhtr', qk, rot)
    rotated = jnp.concatenate([rotated, -rotated], axis=-1)
    buckets = jnp.argmax(rotated, axis=-1)
    offsets = (jnp.arange(NHASH) * NBUCKETS)[None, :, None]
    buckets = (buckets + offsets).reshape(bh, NHASH * t)
    ticker = jnp.arange(NHASH * t)
    buckets_and_t = t * buckets + (ticker % t)[None, :]
    sticker = jnp.argsort(buckets_and_t, axis=-1)
    undo_sort = jnp.argsort(sticker, axis=-1)
    st = sticker % t
    sqk = jnp.take_along_axis(qk, st[..., None], axis=1)
    sv = jnp.take_along_axis(v, st[..., None], axis=1)
    n_chunks = NHASH * NBUCKETS
    bq = sqk.reshape(bh, n_chunks, BUCKET, d)
    bk = bq / (jnp.linalg.norm(bq, axis=-1, keepdims=True) + 1e-9)
    bv = sv.reshape(bh, n_chunks, BUCKET, d)
    bt = st.reshape(bh, n_chunks, BUCKET)

    def look_back(x):
        return jnp.concatenate([x, jnp.roll(x, 1, axis=1)], axis=2)

    bk = look_back(bk)
    bv = look_back(bv)
    bkt = look_back(bt)
    dots = jnp.einsum('bcid,bcjd->bcij', bq, bk) / jnp.sqrt(float(d))
    self_mask = bt[:, :, :, None] == bkt[:, :, None, :]
    dots = jnp.where(self_mask, -5e4, dots)
    lse = jax.scipy.special.logsumexp(dots, axis=-1, keepdims=True)
    probs = jnp.exp(dots - lse)
    bo = jnp.einsum('bcij,bcjd->bcid', probs, bv)
    so = bo.reshape(bh, NHASH * t, d)
    slog = lse.reshape(bh, NHASH * t)
    o = jnp.take_along_axis(so, undo_sort[..., None], axis=1)
    logits = jnp.take_along_axis(slog, undo_sort, axis=1)
    o = o.reshape(bh, NHASH, t, d)
    logits = logits.reshape(bh, NHASH, t, 1)
    w = jnp.exp(logits - jax.scipy.special.logsumexp(logits, axis=1, keepdims=True))
    return jnp.sum(o * w, axis=1)


def _lsh_self_attn(h, lp):
    b = h.shape[0]
    qk = h @ lp['w_qk'].T
    v = h @ lp['w_v'].T
    qk = qk.reshape(b, T, NHEADS, DHEAD).transpose(0, 2, 1, 3).reshape(b * NHEADS, T, DHEAD)
    v = v.reshape(b, T, NHEADS, DHEAD).transpose(0, 2, 1, 3).reshape(b * NHEADS, T, DHEAD)
    o = _lsh_attention(qk, v, lp['rot'])
    o = o.reshape(b, NHEADS, T, DHEAD).transpose(0, 2, 1, 3).reshape(b, T, DMODEL)
    return o @ lp['w_o'].T + lp['b_o']


def _forward(x_enc, x_mark_enc, x_dec, x_mark_dec, params):
    x = jnp.concatenate([x_enc, x_dec[:, -PRED:, :]], axis=1)
    xm = jnp.concatenate([x_mark_enc, x_mark_dec[:, -PRED:, :]], axis=1)
    xp = jnp.concatenate([x[:, -1:], x, x[:, :1]], axis=1)
    win = jnp.stack([xp[:, 0:T], xp[:, 1:T + 1], xp[:, 2:T + 2]], axis=2)
    tok = jnp.einsum('btkc,dck->btd', win, params['token_conv_w'])
    h = tok + _pos_emb()[None] + xm @ params['time_w'].T
    for lp in params['layers']:
        h = h + _lsh_self_attn(h, lp)
        y = h = _ln(h, lp['ln1_g'], lp['ln1_b'])
        y = jax.nn.gelu(y @ lp['conv1_w'].T + lp['conv1_b'])
        y = y @ lp['conv2_w'].T + lp['conv2_b']
        h = _ln(h + y, lp['ln2_g'], lp['ln2_b'])
    h = _ln(h, params['lnf_g'], params['lnf_b'])
    out = h @ params['proj_w'].T + params['proj_b']
    return out[:, -PRED:, :]


def reference(x_enc, x_mark_enc, x_dec, x_mark_dec, params):
    return _forward(x_enc, x_mark_enc, x_dec, x_mark_dec, params)

if __name__ == "__main__":
    import jax
    _d = setup_inputs()
    print(jax.jit(kernel)(*tuple(_d.values())))

</pallas_src>

<mosaic_0001>
module attributes {stable_mosaic.version = 14 : i64} {
  func.func @_embed_body(%arg0: i32, %arg1: memref<1x608x21xf32, #tpu.memory_space<vmem>>, %arg2: memref<1x608x4xf32, #tpu.memory_space<vmem>>, %arg3: memref<21x512xf32, #tpu.memory_space<vmem>>, %arg4: memref<4x512xf32, #tpu.memory_space<vmem>>, %arg5: memref<608x512xf32, #tpu.memory_space<vmem>>, %arg6: memref<1x608x512xf32, #tpu.memory_space<vmem>>) attributes {dimension_semantics = [#tpu.dimension_semantics<arbitrary>], iteration_bounds = array<i64: 32>, scalar_prefetch = 0 : i64, scratch_operands = 0 : i64, tpu.core_type = #tpu.core_type<tc>, window_params = [{transform_indices = @transform_0, window_bounds = array<i64: 1, 608, 21>}, {transform_indices = @transform_1, window_bounds = array<i64: 1, 608, 4>}, {pipeline_mode = #tpu.pipeline_mode<synchronous>, transform_indices = @transform_2, window_bounds = array<i64: 21, 512>}, {pipeline_mode = #tpu.pipeline_mode<synchronous>, transform_indices = @transform_3, window_bounds = array<i64: 4, 512>}, {pipeline_mode = #tpu.pipeline_mode<synchronous>, transform_indices = @transform_4, window_bounds = array<i64: 608, 512>}, {transform_indices = @transform_5, window_bounds = array<i64: 1, 608, 512>}]} {
    %get3A = arith.constant 0 : index
    %get3A_0 = arith.constant 0 : index
    %get3A_1 = arith.constant 0 : index
    %get3A_2 = vector.load %arg1[%get3A, %get3A_0, %get3A_1] : memref<1x608x21xf32, #tpu.memory_space<vmem>>, vector<1x608x21xf32>
    %get3A_3 = vector.shape_cast %get3A_2 : vector<1x608x21xf32> to vector<608x21xf32>
    %get3A_4 = arith.constant 0 : index
    %get3A_5 = arith.constant 0 : index
    %get3A_6 = vector.load %arg3[%get3A_4, %get3A_5] : memref<21x512xf32, #tpu.memory_space<vmem>>, vector<21x512xf32>
    %dot_general3A = arith.constant dense<0.000000e+00> : vector<608x512xf32>
    %dot_general3A_7 = tpu.matmul %get3A_3, %get3A_6, %dot_general3A {dimension_numbers = #tpu.dot_dimension_numbers<[1], [0], [0], [1], [0, 0, 1, 1], [], []>, transpose_lhs_hint = false} : vector<608x21xf32>, vector<21x512xf32>, vector<608x512xf32> -> vector<608x512xf32>
    %get3A_8 = arith.constant 0 : index
    %get3A_9 = arith.constant 0 : index
    %get3A_10 = vector.load %arg5[%get3A_8, %get3A_9] : memref<608x512xf32, #tpu.memory_space<vmem>>, vector<608x512xf32>
    %add3A = arith.addf %dot_general3A_7, %get3A_10 : vector<608x512xf32>
    %get3A_11 = arith.constant 0 : index
    %get3A_12 = arith.constant 0 : index
    %get3A_13 = arith.constant 0 : index
    %get3A_14 = vector.load %arg2[%get3A_11, %get3A_12, %get3A_13] : memref<1x608x4xf32, #tpu.memory_space<vmem>>, vector<1x608x4xf32>
    %get3A_15 = vector.shape_cast %get3A_14 : vector<1x608x4xf32> to vector<608x4xf32>
    %get3A_16 = arith.constant 0 : index
    %get3A_17 = arith.constant 0 : index
    %get3A_18 = vector.load %arg4[%get3A_16, %get3A_17] : memref<4x512xf32, #tpu.memory_space<vmem>>, vector<4x512xf32>
    %dot_general3A_19 = arith.constant dense<0.000000e+00> : vector<608x512xf32>
    %dot_general3A_20 = tpu.matmul %get3A_15, %get3A_18, %dot_general3A_19 {dimension_numbers = #tpu.dot_dimension_numbers<[1], [0], [0], [1], [0, 0, 1, 1], [], []>, transpose_lhs_hint = false} : vector<608x4xf32>, vector<4x512xf32>, vector<608x512xf32> -> vector<608x512xf32>
    %add3A_21 = arith.addf %add3A, %dot_general3A_20 : vector<608x512xf32>
    %swap3A = arith.constant 0 : index
    %swap3A_22 = arith.constant 0 : index
    %swap3A_23 = arith.constant 0 : index
    %swap3A_24 = vector.load %arg6[%swap3A, %swap3A_22, %swap3A_23] : memref<1x608x512xf32, #tpu.memory_space<vmem>>, vector<1x608x512xf32>
    %swap3A_25 = vector.shape_cast %swap3A_24 : vector<1x608x512xf32> to vector<608x512xf32>
    %swap3A_26 = vector.shape_cast %add3A_21 : vector<608x512xf32> to vector<1x608x512xf32>
    tpu.vector_store %arg6[%swap3A, %swap3A_22, %swap3A_23], %swap3A_26 {strides = array<i32>} : memref<1x608x512xf32, #tpu.memory_space<vmem>>, vector<1x608x512xf32>,
    return
  }
  func.func @transform_0(%arg0: i32) -> (i32, i32, i32) {
    %c0_i32 = arith.constant 0 : i32
    %c0_i32_0 = arith.constant 0 : i32
    %c0_i32_1 = arith.constant 0 : i32
    return %arg0, %c0_i32, %c0_i32_0 : i32, i32, i32
  }
  func.func @transform_1(%arg0: i32) -> (i32, i32, i32) {
    %c0_i32 = arith.constant 0 : i32
    %c0_i32_0 = arith.constant 0 : i32
    %c0_i32_1 = arith.constant 0 : i32
    return %arg0, %c0_i32, %c0_i32_0 : i32, i32, i32
  }
  func.func @transform_2(%arg0: i32) -> (i32, i32) {
    %c0_i32 = arith.constant 0 : i32
    %c0_i32_0 = arith.constant 0 : i32
    %c0_i32_1 = arith.constant 0 : i32
    return %c0_i32, %c0_i32_0 : i32, i32
  }
  func.func @transform_3(%arg0: i32) -> (i32, i32) {
    %c0_i32 = arith.constant 0 : i32
    %c0_i32_0 = arith.constant 0 : i32
    %c0_i32_1 = arith.constant 0 : i32
    return %c0_i32, %c0_i32_0 : i32, i32
  }
  func.func @transform_4(%arg0: i32) -> (i32, i32) {
    %c0_i32 = arith.constant 0 : i32
    %c0_i32_0 = arith.constant 0 : i32
    %c0_i32_1 = arith.constant 0 : i32
    return %c0_i32, %c0_i32_0 : i32, i32
  }
  func.func @transform_5(%arg0: i32) -> (i32, i32, i32) {
    %c0_i32 = arith.constant 0 : i32
    %c0_i32_0 = arith.constant 0 : i32
    %c0_i32_1 = arith.constant 0 : i32
    return %arg0, %c0_i32, %c0_i32_0 : i32, i32, i32
  }
}

module attributes {stable_mosaic.version = 14 : i64} {
  func.func @_qkv_body(%arg0: i32, %arg1: memref<1x608x512xf32, #tpu.memory_space<vmem>>, %arg2: memref<512x512xf32, #tpu.memory_space<vmem>>, %arg3: memref<512x512xf32, #tpu.memory_space<vmem>>, %arg4: memref<1x608x512xf32, #tpu.memory_space<vmem>>, %arg5: memref<1x608x512xf32, #tpu.memory_space<vmem>>) attributes {dimension_semantics = [#tpu.dimension_semantics<arbitrary>], iteration_bounds = array<i64: 32>, scalar_prefetch = 0 : i64, scratch_operands = 0 : i64, tpu.core_type = #tpu.core_type<tc>, window_params = [{transform_indices = @transform_0, window_bounds = array<i64: 1, 608, 512>}, {pipeline_mode = #tpu.pipeline_mode<synchronous>, transform_indices = @transform_1, window_bounds = array<i64: 512, 512>}, {pipeline_mode = #tpu.pipeline_mode<synchronous>, transform_indices = @transform_2, window_bounds = array<i64: 512, 512>}, {transform_indices = @transform_3, window_bounds = array<i64: 1, 608, 512>}, {transform_indices = @transform_4, window_bounds = array<i64: 1, 608, 512>}]} {
    %get3A = arith.constant 0 : index
    %get3A_0 = arith.constant 0 : index
    %get3A_1 = arith.constant 0 : index
    %get3A_2 = vector.load %arg1[%get3A, %get3A_0, %get3A_1] : memref<1x608x512xf32, #tpu.memory_space<vmem>>, vector<1x608x512xf32>
    %get3A_3 = vector.shape_cast %get3A_2 : vector<1x608x512xf32> to vector<608x512xf32>
    %get3A_4 = arith.constant 0 : index
    %get3A_5 = arith.constant 0 : index
    %get3A_6 = vector.load %arg2[%get3A_4, %get3A_5] : memref<512x512xf32, #tpu.memory_space<vmem>>, vector<512x512xf32>
    %dot_general3A = arith.constant dense<0.000000e+00> : vector<608x512xf32>
    %dot_general3A_7 = tpu.matmul %get3A_3, %get3A_6, %dot_general3A {dimension_numbers = #tpu.dot_dimension_numbers<[1], [0], [0], [1], [0, 0, 1, 1], [], []>, transpose_lhs_hint = false} : vector<608x512xf32>, vector<512x512xf32>, vector<608x512xf32> -> vector<608x512xf32>
    %swap3A = arith.constant 0 : index
    %swap3A_8 = arith.constant 0 : index
    %swap3A_9 = arith.constant 0 : index
    %swap3A_10 = vector.load %arg4[%swap3A, %swap3A_8, %swap3A_9] : memref<1x608x512xf32, #tpu.memory_space<vmem>>, vector<1x608x512xf32>
    %swap3A_11 = vector.shape_cast %swap3A_10 : vector<1x608x512xf32> to vector<608x512xf32>
    %swap3A_12 = vector.shape_cast %dot_general3A_7 : vector<608x512xf32> to vector<1x608x512xf32>
    tpu.vector_store %arg4[%swap3A, %swap3A_8, %swap3A_9], %swap3A_12 {strides = array<i32>} : memref<1x608x512xf32, #tpu.memory_space<vmem>>, vector<1x608x512xf32>,
    %get3A_13 = arith.constant 0 : index
    %get3A_14 = arith.constant 0 : index
    %get3A_15 = vector.load %arg3[%get3A_13, %get3A_14] : memref<512x512xf32, #tpu.memory_space<vmem>>, vector<512x512xf32>
    %dot_general3A_16 = arith.constant dense<0.000000e+00> : vector<608x512xf32>
    %dot_general3A_17 = tpu.matmul %get3A_3, %get3A_15, %dot_general3A_16 {dimension_numbers = #tpu.dot_dimension_numbers<[1], [0], [0], [1], [0, 0, 1, 1], [], []>, transpose_lhs_hint = false} : vector<608x512xf32>, vector<512x512xf32>, vector<608x512xf32> -> vector<608x512xf32>
    %swap3A_18 = arith.constant 0 : index
    %swap3A_19 = arith.constant 0 : index
    %swap3A_20 = arith.constant 0 : index
    %swap3A_21 = vector.load %arg5[%swap3A_18, %swap3A_19, %swap3A_20] : memref<1x608x512xf32, #tpu.memory_space<vmem>>, vector<1x608x512xf32>
    %swap3A_22 = vector.shape_cast %swap3A_21 : vector<1x608x512xf32> to vector<608x512xf32>
    %swap3A_23 = vector.shape_cast %dot_general3A_17 : vector<608x512xf32> to vector<1x608x512xf32>
    tpu.vector_store %arg5[%swap3A_18, %swap3A_19, %swap3A_20], %swap3A_23 {strides = array<i32>} : memref<1x608x512xf32, #tpu.memory_space<vmem>>, vector<1x608x512xf32>,
    return
  }
  func.func @transform_0(%arg0: i32) -> (i32, i32, i32) {
    %c0_i32 = arith.constant 0 : i32
    %c0_i32_0 = arith.constant 0 : i32
    %c0_i32_1 = arith.constant 0 : i32
    return %arg0, %c0_i32, %c0_i32_0 : i32, i32, i32
  }
  func.func @transform_1(%arg0: i32) -> (i32, i32) {
    %c0_i32 = arith.constant 0 : i32
    %c0_i32_0 = arith.constant 0 : i32
    %c0_i32_1 = arith.constant 0 : i32
    return %c0_i32, %c0_i32_0 : i32, i32
  }
  func.func @transform_2(%arg0: i32) -> (i32, i32) {
    %c0_i32 = arith.constant 0 : i32
    %c0_i32_0 = arith.constant 0 : i32
    %c0_i32_1 = arith.constant 0 : i32
    return %c0_i32, %c0_i32_0 : i32, i32
  }
  func.func @transform_3(%arg0: i32) -> (i32, i32, i32) {
    %c0_i32 = arith.constant 0 : i32
    %c0_i32_0 = arith.constant 0 : i32
    %c0_i32_1 = arith.constant 0 : i32
    return %arg0, %c0_i32, %c0_i32_0 : i32, i32, i32
  }
  func.func @transform_4(%arg0: i32) -> (i32, i32, i32) {
    %c0_i32 = arith.constant 0 : i32
    %c0_i32_0 = arith.constant 0 : i32
    %c0_i32_1 = arith.constant 0 : i32
    return %arg0, %c0_i32, %c0_i32_0 : i32, i32, i32
  }
}

module attributes {stable_mosaic.version = 14 : i64} {
  func.func @_lsh_body(%arg0: i32, %arg1: memref<1x608x64xf32, #tpu.memory_space<vmem>>, %arg2: memref<1x608x64xf32, #tpu.memory_space<vmem>>, %arg3: memref<1x4x608x1xi32, #tpu.memory_space<vmem>>, %arg4: memref<1x608x64xf32, #tpu.memory_space<vmem>>) attributes {dimension_semantics = [#tpu.dimension_semantics<arbitrary>], iteration_bounds = array<i64: 256>, scalar_prefetch = 0 : i64, scratch_operands = 0 : i64, tpu.core_type = #tpu.core_type<tc>, window_params = [{transform_indices = @transform_0, window_bounds = array<i64: 1, 608, 64>}, {transform_indices = @transform_1, window_bounds = array<i64: 1, 608, 64>}, {transform_indices = @transform_2, window_bounds = array<i64: 1, 4, 608, 1>}, {transform_indices = @transform_3, window_bounds = array<i64: 1, 608, 64>}]} {
    %iota3A = tpu.iota {dimensions = array<i32: 0>} : vector<608x1xi32>
    %iota3A_0 = tpu.iota {dimensions = array<i32: 1>} : vector<608x608xi32>
    %iota3A_1 = tpu.iota {dimensions = array<i32: 0>} : vector<608x608xi32>
    %eq3A = arith.cmpi eq, %iota3A_1, %iota3A_0 : vector<608x608xi32>
    %convert_element_type3A = arith.extui %eq3A : vector<608x608xi1> to vector<608x608xi32>
    %convert_element_type3A_2 = arith.sitofp %convert_element_type3A : vector<608x608xi32> to vector<608x608xf32>
    %get3A = arith.constant 0 : index
    %get3A_3 = arith.constant 0 : index
    %get3A_4 = arith.constant 0 : index
    %get3A_5 = arith.constant 0 : index
    %get3A_6 = vector.load %arg3[%get3A, %get3A_3, %get3A_4, %get3A_5] : memref<1x4x608x1xi32, #tpu.memory_space<vmem>>, vector<1x1x608x1xi32>
    %get3A_7 = vector.shape_cast %get3A_6 : vector<1x1x608x1xi32> to vector<608x1xi32>
    %get3A_8 = arith.constant 0 : index
    %get3A_9 = arith.constant 1 : index
    %get3A_10 = arith.constant 0 : index
    %get3A_11 = arith.constant 0 : index
    %get3A_12 = vector.load %arg3[%get3A_8, %get3A_9, %get3A_10, %get3A_11] : memref<1x4x608x1xi32, #tpu.memory_space<vmem>>, vector<1x1x608x1xi32>
    %get3A_13 = vector.shape_cast %get3A_12 : vector<1x1x608x1xi32> to vector<608x1xi32>
    %get3A_14 = arith.constant 0 : index
    %get3A_15 = arith.constant 2 : index
    %get3A_16 = arith.constant 0 : index
    %get3A_17 = arith.constant 0 : index
    %get3A_18 = vector.load %arg3[%get3A_14, %get3A_15, %get3A_16, %get3A_17] : memref<1x4x608x1xi32, #tpu.memory_space<vmem>>, vector<1x1x608x1xi32>
    %get3A_19 = vector.shape_cast %get3A_18 : vector<1x1x608x1xi32> to vector<608x1xi32>
    %get3A_20 = arith.constant 0 : index
    %get3A_21 = arith.constant 3 : index
    %get3A_22 = arith.constant 0 : index
    %get3A_23 = arith.constant 0 : index
    %get3A_24 = vector.load %arg3[%get3A_20, %get3A_21, %get3A_22, %get3A_23] : memref<1x4x608x1xi32, #tpu.memory_space<vmem>>, vector<1x1x608x1xi32>
    %get3A_25 = vector.shape_cast %get3A_24 : vector<1x1x608x1xi32> to vector<608x1xi32>
    %get3A_26 = arith.constant 0 : index
    %get3A_27 = arith.constant 0 : index
    %get3A_28 = arith.constant 0 : index
    %get3A_29 = vector.load %arg1[%get3A_26, %get3A_27, %get3A_28] : memref<1x608x64xf32, #tpu.memory_space<vmem>>, vector<1x608x64xf32>
    %get3A_30 = vector.shape_cast %get3A_29 : vector<1x608x64xf32> to vector<608x64xf32>
    %get3A_31 = arith.constant 0 : index
    %get3A_32 = arith.constant 0 : index
    %get3A_33 = arith.constant 0 : index
    %get3A_34 = vector.load %arg2[%get3A_31, %get3A_32, %get3A_33] : memref<1x608x64xf32, #tpu.memory_space<vmem>>, vector<1x608x64xf32>
    %get3A_35 = vector.shape_cast %get3A_34 : vector<1x608x64xf32> to vector<608x64xf32>
    %concatenate3A = tpu.concatenate %get3A_30, %get3A_35 in 1 : vector<608x64xf32>, vector<608x64xf32> -> vector<608x128xf32>
    %mul3A = arith.constant 608 : i32
    %mul3A_36 = vector.broadcast %mul3A : i32 to vector<608x1xi32>
    %mul3A_37 = arith.muli %get3A_7, %mul3A_36 : vector<608x1xi32>
    %add3A = arith.addi %mul3A_37, %iota3A : vector<608x1xi32>
    %convert_element_type3A_38 = arith.sitofp %add3A : vector<608x1xi32> to vector<608x1xf32>
    %dot_general3A = arith.constant dense<0.000000e+00> : vector<1x608xf32>
    %dot_general3A_39 = tpu.matmul %convert_element_type3A_38, %convert_element_type3A_2, %dot_general3A {dimension_numbers = #tpu.dot_dimension_numbers<[0], [0], [1], [1], [0, 1, 1, 1], [], []>, precision = #tpu.contract_precision<fp32>, transpose_lhs_hint = false} : vector<608x1xf32>, vector<608x608xf32>, vector<1x608xf32> -> vector<1x608xf32>
    %lt3A = vector.broadcast %dot_general3A_39 : vector<1x608xf32> to vector<608x608xf32>
    %lt3A_40 = vector.broadcast %convert_element_type3A_38 : vector<608x1xf32> to vector<608x608xf32>
    %lt3A_41 = arith.cmpf olt, %lt3A, %lt3A_40 : vector<608x608xf32>
    %convert_element_type3A_42 = arith.extui %lt3A_41 : vector<608x608xi1> to vector<608x608xi32>
    %reduce_sum3A = arith.constant dense<0> : vector<608xi32>
    %reduce_sum3A_43 = vector.multi_reduction <add>, %convert_element_type3A_42, %reduce_sum3A [1] : vector<608x608xi32> to vector<608xi32>
    %broadcast_in_dim3A = vector.shape_cast %reduce_sum3A_43 : vector<608xi32> to vector<608x1xi32>
    %eq3A_44 = vector.broadcast %broadcast_in_dim3A : vector<608x1xi32> to vector<608x608xi32>
    %eq3A_45 = arith.cmpi eq, %iota3A_0, %eq3A_44 : vector<608x608xi32>
    %convert_element_type3A_46 = arith.extui %eq3A_45 : vector<608x608xi1> to vector<608x608xi32>
    %convert_element_type3A_47 = arith.sitofp %convert_element_type3A_46 : vector<608x608xi32> to vector<608x608xf32>
    %dot_general3A_48 = arith.constant dense<0.000000e+00> : vector<608x128xf32>
    %dot_general3A_49 = tpu.matmul %convert_element_type3A_47, %concatenate3A, %dot_general3A_48 {dimension_numbers = #tpu.dot_dimension_numbers<[0], [0], [1], [1], [0, 1, 1, 1], [], []>, precision = #tpu.contract_precision<fp32>, transpose_lhs_hint = false} : vector<608x608xf32>, vector<608x128xf32>, vector<608x128xf32> -> vector<608x128xf32>
    %convert_element_type3A_50 = arith.sitofp %iota3A : vector<608x1xi32> to vector<608x1xf32>
    %dot_general3A_51 = arith.constant dense<0.000000e+00> : vector<608x1xf32>
    %dot_general3A_52 = tpu.matmul %convert_element_type3A_47, %convert_element_type3A_50, %dot_general3A_51 {dimension_numbers = #tpu.dot_dimension_numbers<[0], [0], [1], [1], [0, 1, 1, 1], [], []>, precision = #tpu.contract_precision<fp32>, transpose_lhs_hint = false} : vector<608x608xf32>, vector<608x1xf32>, vector<608x1xf32> -> vector<608x1xf32>
    %slice3A = vector.extract_strided_slice %dot_general3A_49 {offsets = [0, 0], sizes = [608, 64], strides = [1, 1]} : vector<608x128xf32> to vector<608x64xf32>
    %slice3A_53 = vector.extract_strided_slice %dot_general3A_49 {offsets = [0, 64], sizes = [608, 64], strides = [1, 1]} : vector<608x128xf32> to vector<608x64xf32>
    %mul3A_54 = arith.constant 608 : i32
    %mul3A_55 = vector.broadcast %mul3A_54 : i32 to vector<608x1xi32>
    %mul3A_56 = arith.muli %get3A_13, %mul3A_55 : vector<608x1xi32>
    %add3A_57 = arith.addi %mul3A_56, %iota3A : vector<608x1xi32>
    %convert_element_type3A_58 = arith.sitofp %add3A_57 : vector<608x1xi32> to vector<608x1xf32>
    %dot_general3A_59 = arith.constant dense<0.000000e+00> : vector<1x608xf32>
    %dot_general3A_60 = tpu.matmul %convert_element_type3A_58, %convert_element_type3A_2, %dot_general3A_59 {dimension_numbers = #tpu.dot_dimension_numbers<[0], [0], [1], [1], [0, 1, 1, 1], [], []>, precision = #tpu.contract_precision<fp32>, transpose_lhs_hint = false} : vector<608x1xf32>, vector<608x608xf32>, vector<1x608xf32> -> vector<1x608xf32>
    %lt3A_61 = vector.broadcast %dot_general3A_60 : vector<1x608xf32> to vector<608x608xf32>
    %lt3A_62 = vector.broadcast %convert_element_type3A_58 : vector<608x1xf32> to vector<608x608xf32>
    %lt3A_63 = arith.cmpf olt, %lt3A_61, %lt3A_62 : vector<608x608xf32>
    %convert_element_type3A_64 = arith.extui %lt3A_63 : vector<608x608xi1> to vector<608x608xi32>
    %reduce_sum3A_65 = arith.constant dense<0> : vector<608xi32>
    %reduce_sum3A_66 = vector.multi_reduction <add>, %convert_element_type3A_64, %reduce_sum3A_65 [1] : vector<608x608xi32> to vector<608xi32>
    %broadcast_in_dim3A_67 = vector.shape_cast %reduce_sum3A_66 : vector<608xi32> to vector<608x1xi32>
    %eq3A_68 = vector.broadcast %broadcast_in_dim3A_67 : vector<608x1xi32> to vector<608x608xi32>
    %eq3A_69 = arith.cmpi eq, %iota3A_0, %eq3A_68 : vector<608x608xi32>
    %convert_element_type3A_70 = arith.extui %eq3A_69 : vector<608x608xi1> to vector<608x608xi32>
    %convert_element_type3A_71 = arith.sitofp %convert_element_type3A_70 : vector<608x608xi32> to vector<608x608xf32>
    %dot_general3A_72 = arith.constant dense<0.000000e+00> : vector<608x128xf32>
    %dot_general3A_73 = tpu.matmul %convert_element_type3A_71, %concatenate3A, %dot_general3A_72 {dimension_numbers = #tpu.dot_dimension_numbers<[0], [0], [1], [1], [0, 1, 1, 1], [], []>, precision = #tpu.contract_precision<fp32>, transpose_lhs_hint = false} : vector<608x608xf32>, vector<608x128xf32>, vector<608x128xf32> -> vector<608x128xf32>
    %convert_element_type3A_74 = arith.sitofp %iota3A : vector<608x1xi32> to vector<608x1xf32>
    %dot_general3A_75 = arith.constant dense<0.000000e+00> : vector<608x1xf32>
    %dot_general3A_76 = tpu.matmul %convert_element_type3A_71, %convert_element_type3A_74, %dot_general3A_75 {dimension_numbers = #tpu.dot_dimension_numbers<[0], [0], [1], [1], [0, 1, 1, 1], [], []>, precision = #tpu.contract_precision<fp32>, transpose_lhs_hint = false} : vector<608x608xf32>, vector<608x1xf32>, vector<608x1xf32> -> vector<608x1xf32>
    %slice3A_77 = vector.extract_strided_slice %dot_general3A_73 {offsets = [0, 0], sizes = [608, 64], strides = [1, 1]} : vector<608x128xf32> to vector<608x64xf32>
    %slice3A_78 = vector.extract_strided_slice %dot_general3A_73 {offsets = [0, 64], sizes = [608, 64], strides = [1, 1]} : vector<608x128xf32> to vector<608x64xf32>
    %mul3A_79 = arith.constant 608 : i32
    %mul3A_80 = vector.broadcast %mul3A_79 : i32 to vector<608x1xi32>
    %mul3A_81 = arith.muli %get3A_19, %mul3A_80 : vector<608x1xi32>
    %add3A_82 = arith.addi %mul3A_81, %iota3A : vector<608x1xi32>
    %convert_element_type3A_83 = arith.sitofp %add3A_82 : vector<608x1xi32> to vector<608x1xf32>
    %dot_general3A_84 = arith.constant dense<0.000000e+00> : vector<1x608xf32>
    %dot_general3A_85 = tpu.matmul %convert_element_type3A_83, %convert_element_type3A_2, %dot_general3A_84 {dimension_numbers = #tpu.dot_dimension_numbers<[0], [0], [1], [1], [0, 1, 1, 1], [], []>, precision = #tpu.contract_precision<fp32>, transpose_lhs_hint = false} : vector<608x1xf32>, vector<608x608xf32>, vector<1x608xf32> -> vector<1x608xf32>
    %lt3A_86 = vector.broadcast %dot_general3A_85 : vector<1x608xf32> to vector<608x608xf32>
    %lt3A_87 = vector.broadcast %convert_element_type3A_83 : vector<608x1xf32> to vector<608x608xf32>
    %lt3A_88 = arith.cmpf olt, %lt3A_86, %lt3A_87 : vector<608x608xf32>
    %convert_element_type3A_89 = arith.extui %lt3A_88 : vector<608x608xi1> to vector<608x608xi32>
    %reduce_sum3A_90 = arith.constant dense<0> : vector<608xi32>
    %reduce_sum3A_91 = vector.multi_reduction <add>, %convert_element_type3A_89, %reduce_sum3A_90 [1] : vector<608x608xi32> to vector<608xi32>
    %broadcast_in_dim3A_92 = vector.shape_cast %reduce_sum3A_91 : vector<608xi32> to vector<608x1xi32>
    %eq3A_93 = vector.broadcast %broadcast_in_dim3A_92 : vector<608x1xi32> to vector<608x608xi32>
    %eq3A_94 = arith.cmpi eq, %iota3A_0, %eq3A_93 : vector<608x608xi32>
    %convert_element_type3A_95 = arith.extui %eq3A_94 : vector<608x608xi1> to vector<608x608xi32>
    %convert_element_type3A_96 = arith.sitofp %convert_element_type3A_95 : vector<608x608xi32> to vector<608x608xf32>
    %dot_general3A_97 = arith.constant dense<0.000000e+00> : vector<608x128xf32>
    %dot_general3A_98 = tpu.matmul %convert_element_type3A_96, %concatenate3A, %dot_general3A_97 {dimension_numbers = #tpu.dot_dimension_numbers<[0], [0], [1], [1], [0, 1, 1, 1], [], []>, precision = #tpu.contract_precision<fp32>, transpose_lhs_hint = false} : vector<608x608xf32>, vector<608x128xf32>, vector<608x128xf32> -> vector<608x128xf32>
    %convert_element_type3A_99 = arith.sitofp %iota3A : vector<608x1xi32> to vector<608x1xf32>
    %dot_general3A_100 = arith.constant dense<0.000000e+00> : vector<608x1xf32>
    %dot_general3A_101 = tpu.matmul %convert_element_type3A_96, %convert_element_type3A_99, %dot_general3A_100 {dimension_numbers = #tpu.dot_dimension_numbers<[0], [0], [1], [1], [0, 1, 1, 1], [], []>, precision = #tpu.contract_precision<fp32>, transpose_lhs_hint = false} : vector<608x608xf32>, vector<608x1xf32>, vector<608x1xf32> -> vector<608x1xf32>
    %slice3A_102 = vector.extract_strided_slice %dot_general3A_98 {offsets = [0, 0], sizes = [608, 64], strides = [1, 1]} : vector<608x128xf32> to vector<608x64xf32>
    %slice3A_103 = vector.extract_strided_slice %dot_general3A_98 {offsets = [0, 64], sizes = [608, 64], strides = [1, 1]} : vector<608x128xf32> to vector<608x64xf32>
    %mul3A_104 = arith.constant 608 : i32
    %mul3A_105 = vector.broadcast %mul3A_104 : i32 to vector<608x1xi32>
    %mul3A_106 = arith.muli %get3A_25, %mul3A_105 : vector<608x1xi32>
    %add3A_107 = arith.addi %mul3A_106, %iota3A : vector<608x1xi32>
    %convert_element_type3A_108 = arith.sitofp %add3A_107 : vector<608x1xi32> to vector<608x1xf32>
    %dot_general3A_109 = arith.constant dense<0.000000e+00> : vector<1x608xf32>
    %dot_general3A_110 = tpu.matmul %convert_element_type3A_108, %convert_element_type3A_2, %dot_general3A_109 {dimension_numbers = #tpu.dot_dimension_numbers<[0], [0], [1], [1], [0, 1, 1, 1], [], []>, precision = #tpu.contract_precision<fp32>, transpose_lhs_hint = false} : vector<608x1xf32>, vector<608x608xf32>, vector<1x608xf32> -> vector<1x608xf32>
    %lt3A_111 = vector.broadcast %dot_general3A_110 : vector<1x608xf32> to vector<608x608xf32>
    %lt3A_112 = vector.broadcast %convert_element_type3A_108 : vector<608x1xf32> to vector<608x608xf32>
    %lt3A_113 = arith.cmpf olt, %lt3A_111, %lt3A_112 : vector<608x608xf32>
    %convert_element_type3A_114 = arith.extui %lt3A_113 : vector<608x608xi1> to vector<608x608xi32>
    %reduce_sum3A_115 = arith.constant dense<0> : vector<608xi32>
    %reduce_sum3A_116 = vector.multi_reduction <add>, %convert_element_type3A_114, %reduce_sum3A_115 [1] : vector<608x608xi32> to vector<608xi32>
    %broadcast_in_dim3A_117 = vector.shape_cast %reduce_sum3A_116 : vector<608xi32> to vector<608x1xi32>
    %eq3A_118 = vector.broadcast %broadcast_in_dim3A_117 : vector<608x1xi32> to vector<608x608xi32>
    %eq3A_119 = arith.cmpi eq, %iota3A_0, %eq3A_118 : vector<608x608xi32>
    %convert_element_type3A_120 = arith.extui %eq3A_119 : vector<608x608xi1> to vector<608x608xi32>
    %convert_element_type3A_121 = arith.sitofp %convert_element_type3A_120 : vector<608x608xi32> to vector<608x608xf32>
    %dot_general3A_122 = arith.constant dense<0.000000e+00> : vector<608x128xf32>
    %dot_general3A_123 = tpu.matmul %convert_element_type3A_121, %concatenate3A, %dot_general3A_122 {dimension_numbers = #tpu.dot_dimension_numbers<[0], [0], [1], [1], [0, 1, 1, 1], [], []>, precision = #tpu.contract_precision<fp32>, transpose_lhs_hint = false} : vector<608x608xf32>, vector<608x128xf32>, vector<608x128xf32> -> vector<608x128xf32>
    %convert_element_type3A_124 = arith.sitofp %iota3A : vector<608x1xi32> to vector<608x1xf32>
    %dot_general3A_125 = arith.constant dense<0.000000e+00> : vector<608x1xf32>
    %dot_general3A_126 = tpu.matmul %convert_element_type3A_121, %convert_element_type3A_124, %dot_general3A_125 {dimension_numbers = #tpu.dot_dimension_numbers<[0], [0], [1], [1], [0, 1, 1, 1], [], []>, precision = #tpu.contract_precision<fp32>, transpose_lhs_hint = false} : vector<608x608xf32>, vector<608x1xf32>, vector<608x1xf32> -> vector<608x1xf32>
    %slice3A_127 = vector.extract_strided_slice %dot_general3A_123 {offsets = [0, 0], sizes = [608, 64], strides = [1, 1]} : vector<608x128xf32> to vector<608x64xf32>
    %slice3A_128 = vector.extract_strided_slice %dot_general3A_123 {offsets = [0, 64], sizes = [608, 64], strides = [1, 1]} : vector<608x128xf32> to vector<608x64xf32>
    %concatenate3A_129 = tpu.concatenate %slice3A, %slice3A_77, %slice3A_102, %slice3A_127 in 0 : vector<608x64xf32>, vector<608x64xf32>, vector<608x64xf32>, vector<608x64xf32> -> vector<2432x64xf32>
    %concatenate3A_130 = tpu.concatenate %slice3A_53, %slice3A_78, %slice3A_103, %slice3A_128 in 0 : vector<608x64xf32>, vector<608x64xf32>, vector<608x64xf32>, vector<608x64xf32> -> vector<2432x64xf32>
    %concatenate3A_131 = tpu.concatenate %dot_general3A_52, %dot_general3A_76, %dot_general3A_101, %dot_general3A_126 in 0 : vector<608x1xf32>, vector<608x1xf32>, vector<608x1xf32>, vector<608x1xf32> -> vector<2432x1xf32>
    %mul3A_132 = arith.mulf %concatenate3A_129, %concatenate3A_129 : vector<2432x64xf32>
    %reduce_sum3A_133 = arith.constant dense<0.000000e+00> : vector<2432xf32>
    %reduce_sum3A_134 = vector.multi_reduction <add>, %mul3A_132, %reduce_sum3A_133 [1] : vector<2432x64xf32> to vector<2432xf32>
    %broadcast_in_dim3A_135 = vector.shape_cast %reduce_sum3A_134 : vector<2432xf32> to vector<2432x1xf32>
    %sqrt3A = math.sqrt %broadcast_in_dim3A_135 : vector<2432x1xf32>
    %add3A_136 = arith.constant 9.99999971E-10 : f32
    %add3A_137 = vector.broadcast %add3A_136 : f32 to vector<2432x1xf32>
    %add3A_138 = arith.addf %sqrt3A, %add3A_137 : vector<2432x1xf32>
    %div3A = vector.broadcast %add3A_138 : vector<2432x1xf32> to vector<2432x64xf32>
    %div3A_139 = arith.divf %concatenate3A_129, %div3A : vector<2432x64xf32>
    %reshape3A = vector.shape_cast %concatenate3A_129 : vector<2432x64xf32> to vector<608x4x64xf32>
    %reshape3A_140 = vector.shape_cast %div3A_139 : vector<2432x64xf32> to vector<608x4x64xf32>
    %reshape3A_141 = vector.shape_cast %concatenate3A_130 : vector<2432x64xf32> to vector<608x4x64xf32>
    %reshape3A_142 = vector.shape_cast %concatenate3A_131 : vector<2432x1xf32> to vector<608x4xf32>
    %slice3A_143 = vector.extract_strided_slice %reshape3A_140 {offsets = [607, 0, 0], sizes = [1, 4, 64], strides = [1, 1, 1]} : vector<608x4x64xf32> to vector<1x4x64xf32>
    %slice3A_144 = vector.extract_strided_slice %reshape3A_140 {offsets = [0, 0, 0], sizes = [607, 4, 64], strides = [1, 1, 1]} : vector<608x4x64xf32> to vector<607x4x64xf32>
    %concatenate3A_145 = tpu.concatenate %slice3A_143, %slice3A_144 in 0 : vector<1x4x64xf32>, vector<607x4x64xf32> -> vector<608x4x64xf32>
    %concatenate3A_146 = tpu.concatenate %reshape3A_140, %concatenate3A_145 in 1 : vector<608x4x64xf32>, vector<608x4x64xf32> -> vector<608x8x64xf32>
    %slice3A_147 = vector.extract_strided_slice %reshape3A_141 {offsets = [607, 0, 0], sizes = [1, 4, 64], strides = [1, 1, 1]} : vector<608x4x64xf32> to vector<1x4x64xf32>
    %slice3A_148 = vector.extract_strided_slice %reshape3A_141 {offsets = [0, 0, 0], sizes = [607, 4, 64], strides = [1, 1, 1]} : vector<608x4x64xf32> to vector<607x4x64xf32>
    %concatenate3A_149 = tpu.concatenate %slice3A_147, %slice3A_148 in 0 : vector<1x4x64xf32>, vector<607x4x64xf32> -> vector<608x4x64xf32>
    %concatenate3A_150 = tpu.concatenate %reshape3A_141, %concatenate3A_149 in 1 : vector<608x4x64xf32>, vector<608x4x64xf32> -> vector<608x8x64xf32>
    %slice3A_151 = vector.extract_strided_slice %reshape3A_142 {offsets = [607, 0], sizes = [1, 4], strides = [1, 1]} : vector<608x4xf32> to vector<1x4xf32>
    %slice3A_152 = vector.extract_strided_slice %reshape3A_142 {offsets = [0, 0], sizes = [607, 4], strides = [1, 1]} : vector<608x4xf32> to vector<607x4xf32>
    %concatenate3A_153 = tpu.concatenate %slice3A_151, %slice3A_152 in 0 : vector<1x4xf32>, vector<607x4xf32> -> vector<608x4xf32>
    %concatenate3A_154 = tpu.concatenate %reshape3A_142, %concatenate3A_153 in 1 : vector<608x4xf32>, vector<608x4xf32> -> vector<608x8xf32>
    %convert_element_type3A_155 = arith.truncf %concatenate3A_146 : vector<608x8x64xf32> to vector<608x8x64xbf16>
    %convert_element_type3A_156 = arith.extf %convert_element_type3A_155 : vector<608x8x64xbf16> to vector<608x8x64xf32>
    %convert_element_type3A_157 = arith.truncf %concatenate3A_150 : vector<608x8x64xf32> to vector<608x8x64xbf16>
    %convert_element_type3A_158 = arith.extf %convert_element_type3A_157 : vector<608x8x64xbf16> to vector<608x8x64xf32>
    %slice3A_159 = vector.extract_strided_slice %reshape3A {offsets = [0, 0, 0], sizes = [608, 1, 64], strides = [1, 1, 1]} : vector<608x4x64xf32> to vector<608x1x64xf32>
    %convert_element_type3A_160 = arith.truncf %slice3A_159 : vector<608x1x64xf32> to vector<608x1x64xbf16>
    %convert_element_type3A_161 = arith.extf %convert_element_type3A_160 : vector<608x1x64xbf16> to vector<608x1x64xf32>
    %mul3A_162 = vector.broadcast %convert_element_type3A_161 : vector<608x1x64xf32> to vector<608x8x64xf32>
    %mul3A_163 = arith.mulf %mul3A_162, %convert_element_type3A_156 : vector<608x8x64xf32>
    %reduce_sum3A_164 = arith.constant dense<0.000000e+00> : vector<608x8xf32>
    %reduce_sum3A_165 = vector.multi_reduction <add>, %mul3A_163, %reduce_sum3A_164 [2] : vector<608x8x64xf32> to vector<608x8xf32>
    %mul3A_166 = arith.constant 1.250000e-01 : f32
    %mul3A_167 = vector.broadcast %mul3A_166 : f32 to vector<608x8xf32>
    %mul3A_168 = arith.mulf %reduce_sum3A_165, %mul3A_167 : vector<608x8xf32>
    %slice3A_169 = vector.extract_strided_slice %reshape3A_142 {offsets = [0, 0], sizes = [608, 1], strides = [1, 1]} : vector<608x4xf32> to vector<608x1xf32>
    %eq3A_170 = vector.broadcast %slice3A_169 : vector<608x1xf32> to vector<608x8xf32>
    %eq3A_171 = arith.cmpf oeq, %concatenate3A_154, %eq3A_170 : vector<608x8xf32>
    %jit3A = arith.constant -5.000000e+04 : f32
    %broadcast_in_dim3A_172 = vector.broadcast %jit3A : f32 to vector<608x8xf32>
    %select_n3A = arith.select %eq3A_171, %broadcast_in_dim3A_172, %mul3A_168 : vector<608x8xi1>, vector<608x8xf32>
    %reduce_max3A = arith.constant dense<0xFF800000> : vector<608xf32>
    %reduce_max3A_173 = vector.multi_reduction <maximumf>, %select_n3A, %reduce_max3A [1] : vector<608x8xf32> to vector<608xf32>
    %broadcast_in_dim3A_174 = vector.shape_cast %reduce_max3A_173 : vector<608xf32> to vector<608x1xf32>
    %sub3A = vector.broadcast %broadcast_in_dim3A_174 : vector<608x1xf32> to vector<608x8xf32>
    %sub3A_175 = arith.subf %select_n3A, %sub3A : vector<608x8xf32>
    %exp3A = math.exp %sub3A_175 : vector<608x8xf32>
    %reduce_sum3A_176 = arith.constant dense<0.000000e+00> : vector<608xf32>
    %reduce_sum3A_177 = vector.multi_reduction <add>, %exp3A, %reduce_sum3A_176 [1] : vector<608x8xf32> to vector<608xf32>
    %broadcast_in_dim3A_178 = vector.shape_cast %reduce_sum3A_177 : vector<608xf32> to vector<608x1xf32>
    %log3A = math.log %broadcast_in_dim3A_178 : vector<608x1xf32>
    %add3A_179 = arith.addf %broadcast_in_dim3A_174, %log3A : vector<608x1xf32>
    %div3A_180 = vector.broadcast %broadcast_in_dim3A_178 : vector<608x1xf32> to vector<608x8xf32>
    %div3A_181 = arith.divf %exp3A, %div3A_180 : vector<608x8xf32>
    %convert_element_type3A_182 = arith.truncf %div3A_181 : vector<608x8xf32> to vector<608x8xbf16>
    %convert_element_type3A_183 = arith.extf %convert_element_type3A_182 : vector<608x8xbf16> to vector<608x8xf32>
    %broadcast_in_dim3A_184 = vector.shape_cast %convert_element_type3A_183 : vector<608x8xf32> to vector<608x8x1xf32>
    %mul3A_185 = vector.broadcast %broadcast_in_dim3A_184 : vector<608x8x1xf32> to vector<608x8x64xf32>
    %mul3A_186 = arith.mulf %mul3A_185, %convert_element_type3A_158 : vector<608x8x64xf32>
    %reduce_sum3A_187 = arith.constant dense<0.000000e+00> : vector<608x64xf32>
    %reduce_sum3A_188 = vector.multi_reduction <add>, %mul3A_186, %reduce_sum3A_187 [1] : vector<608x8x64xf32> to vector<608x64xf32>
    %concatenate3A_189 = tpu.concatenate %reduce_sum3A_188, %add3A_179 in 1 : vector<608x64xf32>, vector<608x1xf32> -> vector<608x65xf32>
    %broadcast_in_dim3A_190 = vector.shape_cast %concatenate3A_189 : vector<608x65xf32> to vector<608x1x65xf32>
    %slice3A_191 = vector.extract_strided_slice %reshape3A {offsets = [0, 1, 0], sizes = [608, 1, 64], strides = [1, 1, 1]} : vector<608x4x64xf32> to vector<608x1x64xf32>
    %convert_element_type3A_192 = arith.truncf %slice3A_191 : vector<608x1x64xf32> to vector<608x1x64xbf16>
    %convert_element_type3A_193 = arith.extf %convert_element_type3A_192 : vector<608x1x64xbf16> to vector<608x1x64xf32>
    %mul3A_194 = vector.broadcast %convert_element_type3A_193 : vector<608x1x64xf32> to vector<608x8x64xf32>
    %mul3A_195 = arith.mulf %mul3A_194, %convert_element_type3A_156 : vector<608x8x64xf32>
    %reduce_sum3A_196 = arith.constant dense<0.000000e+00> : vector<608x8xf32>
    %reduce_sum3A_197 = vector.multi_reduction <add>, %mul3A_195, %reduce_sum3A_196 [2] : vector<608x8x64xf32> to vector<608x8xf32>
    %mul3A_198 = arith.constant 1.250000e-01 : f32
    %mul3A_199 = vector.broadcast %mul3A_198 : f32 to vector<608x8xf32>
    %mul3A_200 = arith.mulf %reduce_sum3A_197, %mul3A_199 : vector<608x8xf32>
    %slice3A_201 = vector.extract_strided_slice %reshape3A_142 {offsets = [0, 1], sizes = [608, 1], strides = [1, 1]} : vector<608x4xf32> to vector<608x1xf32>
    %eq3A_202 = vector.broadcast %slice3A_201 : vector<608x1xf32> to vector<608x8xf32>
    %eq3A_203 = arith.cmpf oeq, %concatenate3A_154, %eq3A_202 : vector<608x8xf32>
    %jit3A_204 = arith.constant -5.000000e+04 : f32
    %broadcast_in_dim3A_205 = vector.broadcast %jit3A_204 : f32 to vector<608x8xf32>
    %select_n3A_206 = arith.select %eq3A_203, %broadcast_in_dim3A_205, %mul3A_200 : vector<608x8xi1>, vector<608x8xf32>
    %reduce_max3A_207 = arith.constant dense<0xFF800000> : vector<608xf32>
    %reduce_max3A_208 = vector.multi_reduction <maximumf>, %select_n3A_206, %reduce_max3A_207 [1] : vector<608x8xf32> to vector<608xf32>
    %broadcast_in_dim3A_209 = vector.shape_cast %reduce_max3A_208 : vector<608xf32> to vector<608x1xf32>
    %sub3A_210 = vector.broadcast %broadcast_in_dim3A_209 : vector<608x1xf32> to vector<608x8xf32>
    %sub3A_211 = arith.subf %select_n3A_206, %sub3A_210 : vector<608x8xf32>
    %exp3A_212 = math.exp %sub3A_211 : vector<608x8xf32>
    %reduce_sum3A_213 = arith.constant dense<0.000000e+00> : vector<608xf32>
    %reduce_sum3A_214 = vector.multi_reduction <add>, %exp3A_212, %reduce_sum3A_213 [1] : vector<608x8xf32> to vector<608xf32>
    %broadcast_in_dim3A_215 = vector.shape_cast %reduce_sum3A_214 : vector<608xf32> to vector<608x1xf32>
    %log3A_216 = math.log %broadcast_in_dim3A_215 : vector<608x1xf32>
    %add3A_217 = arith.addf %broadcast_in_dim3A_209, %log3A_216 : vector<608x1xf32>
    %div3A_218 = vector.broadcast %broadcast_in_dim3A_215 : vector<608x1xf32> to vector<608x8xf32>
    %div3A_219 = arith.divf %exp3A_212, %div3A_218 : vector<608x8xf32>
    %convert_element_type3A_220 = arith.truncf %div3A_219 : vector<608x8xf32> to vector<608x8xbf16>
    %convert_element_type3A_221 = arith.extf %convert_element_type3A_220 : vector<608x8xbf16> to vector<608x8xf32>
    %broadcast_in_dim3A_222 = vector.shape_cast %convert_element_type3A_221 : vector<608x8xf32> to vector<608x8x1xf32>
    %mul3A_223 = vector.broadcast %broadcast_in_dim3A_222 : vector<608x8x1xf32> to vector<608x8x64xf32>
    %mul3A_224 = arith.mulf %mul3A_223, %convert_element_type3A_158 : vector<608x8x64xf32>
    %reduce_sum3A_225 = arith.constant dense<0.000000e+00> : vector<608x64xf32>
    %reduce_sum3A_226 = vector.multi_reduction <add>, %mul3A_224, %reduce_sum3A_225 [1] : vector<608x8x64xf32> to vector<608x64xf32>
    %concatenate3A_227 = tpu.concatenate %reduce_sum3A_226, %add3A_217 in 1 : vector<608x64xf32>, vector<608x1xf32> -> vector<608x65xf32>
    %broadcast_in_dim3A_228 = vector.shape_cast %concatenate3A_227 : vector<608x65xf32> to vector<608x1x65xf32>
    %slice3A_229 = vector.extract_strided_slice %reshape3A {offsets = [0, 2, 0], sizes = [608, 1, 64], strides = [1, 1, 1]} : vector<608x4x64xf32> to vector<608x1x64xf32>
    %convert_element_type3A_230 = arith.truncf %slice3A_229 : vector<608x1x64xf32> to vector<608x1x64xbf16>
    %convert_element_type3A_231 = arith.extf %convert_element_type3A_230 : vector<608x1x64xbf16> to vector<608x1x64xf32>
    %mul3A_232 = vector.broadcast %convert_element_type3A_231 : vector<608x1x64xf32> to vector<608x8x64xf32>
    %mul3A_233 = arith.mulf %mul3A_232, %convert_element_type3A_156 : vector<608x8x64xf32>
    %reduce_sum3A_234 = arith.constant dense<0.000000e+00> : vector<608x8xf32>
    %reduce_sum3A_235 = vector.multi_reduction <add>, %mul3A_233, %reduce_sum3A_234 [2] : vector<608x8x64xf32> to vector<608x8xf32>
    %mul3A_236 = arith.constant 1.250000e-01 : f32
    %mul3A_237 = vector.broadcast %mul3A_236 : f32 to vector<608x8xf32>
    %mul3A_238 = arith.mulf %reduce_sum3A_235, %mul3A_237 : vector<608x8xf32>
    %slice3A_239 = vector.extract_strided_slice %reshape3A_142 {offsets = [0, 2], sizes = [608, 1], strides = [1, 1]} : vector<608x4xf32> to vector<608x1xf32>
    %eq3A_240 = vector.broadcast %slice3A_239 : vector<608x1xf32> to vector<608x8xf32>
    %eq3A_241 = arith.cmpf oeq, %concatenate3A_154, %eq3A_240 : vector<608x8xf32>
    %jit3A_242 = arith.constant -5.000000e+04 : f32
    %broadcast_in_dim3A_243 = vector.broadcast %jit3A_242 : f32 to vector<608x8xf32>
    %select_n3A_244 = arith.select %eq3A_241, %broadcast_in_dim3A_243, %mul3A_238 : vector<608x8xi1>, vector<608x8xf32>
    %reduce_max3A_245 = arith.constant dense<0xFF800000> : vector<608xf32>
    %reduce_max3A_246 = vector.multi_reduction <maximumf>, %select_n3A_244, %reduce_max3A_245 [1] : vector<608x8xf32> to vector<608xf32>
    %broadcast_in_dim3A_247 = vector.shape_cast %reduce_max3A_246 : vector<608xf32> to vector<608x1xf32>
    %sub3A_248 = vector.broadcast %broadcast_in_dim3A_247 : vector<608x1xf32> to vector<608x8xf32>
    %sub3A_249 = arith.subf %select_n3A_244, %sub3A_248 : vector<608x8xf32>
    %exp3A_250 = math.exp %sub3A_249 : vector<608x8xf32>
    %reduce_sum3A_251 = arith.constant dense<0.000000e+00> : vector<608xf32>
    %reduce_sum3A_252 = vector.multi_reduction <add>, %exp3A_250, %reduce_sum3A_251 [1] : vector<608x8xf32> to vector<608xf32>
    %broadcast_in_dim3A_253 = vector.shape_cast %reduce_sum3A_252 : vector<608xf32> to vector<608x1xf32>
    %log3A_254 = math.log %broadcast_in_dim3A_253 : vector<608x1xf32>
    %add3A_255 = arith.addf %broadcast_in_dim3A_247, %log3A_254 : vector<608x1xf32>
    %div3A_256 = vector.broadcast %broadcast_in_dim3A_253 : vector<608x1xf32> to vector<608x8xf32>
    %div3A_257 = arith.divf %exp3A_250, %div3A_256 : vector<608x8xf32>
    %convert_element_type3A_258 = arith.truncf %div3A_257 : vector<608x8xf32> to vector<608x8xbf16>
    %convert_element_type3A_259 = arith.extf %convert_element_type3A_258 : vector<608x8xbf16> to vector<608x8xf32>
    %broadcast_in_dim3A_260 = vector.shape_cast %convert_element_type3A_259 : vector<608x8xf32> to vector<608x8x1xf32>
    %mul3A_261 = vector.broadcast %broadcast_in_dim3A_260 : vector<608x8x1xf32> to vector<608x8x64xf32>
    %mul3A_262 = arith.mulf %mul3A_261, %convert_element_type3A_158 : vector<608x8x64xf32>
    %reduce_sum3A_263 = arith.constant dense<0.000000e+00> : vector<608x64xf32>
    %reduce_sum3A_264 = vector.multi_reduction <add>, %mul3A_262, %reduce_sum3A_263 [1] : vector<608x8x64xf32> to vector<608x64xf32>
    %concatenate3A_265 = tpu.concatenate %reduce_sum3A_264, %add3A_255 in 1 : vector<608x64xf32>, vector<608x1xf32> -> vector<608x65xf32>
    %broadcast_in_dim3A_266 = vector.shape_cast %concatenate3A_265 : vector<608x65xf32> to vector<608x1x65xf32>
    %slice3A_267 = vector.extract_strided_slice %reshape3A {offsets = [0, 3, 0], sizes = [608, 1, 64], strides = [1, 1, 1]} : vector<608x4x64xf32> to vector<608x1x64xf32>
    %convert_element_type3A_268 = arith.truncf %slice3A_267 : vector<608x1x64xf32> to vector<608x1x64xbf16>
    %convert_element_type3A_269 = arith.extf %convert_element_type3A_268 : vector<608x1x64xbf16> to vector<608x1x64xf32>
    %mul3A_270 = vector.broadcast %convert_element_type3A_269 : vector<608x1x64xf32> to vector<608x8x64xf32>
    %mul3A_271 = arith.mulf %mul3A_270, %convert_element_type3A_156 : vector<608x8x64xf32>
    %reduce_sum3A_272 = arith.constant dense<0.000000e+00> : vector<608x8xf32>
    %reduce_sum3A_273 = vector.multi_reduction <add>, %mul3A_271, %reduce_sum3A_272 [2] : vector<608x8x64xf32> to vector<608x8xf32>
    %mul3A_274 = arith.constant 1.250000e-01 : f32
    %mul3A_275 = vector.broadcast %mul3A_274 : f32 to vector<608x8xf32>
    %mul3A_276 = arith.mulf %reduce_sum3A_273, %mul3A_275 : vector<608x8xf32>
    %slice3A_277 = vector.extract_strided_slice %reshape3A_142 {offsets = [0, 3], sizes = [608, 1], strides = [1, 1]} : vector<608x4xf32> to vector<608x1xf32>
    %eq3A_278 = vector.broadcast %slice3A_277 : vector<608x1xf32> to vector<608x8xf32>
    %eq3A_279 = arith.cmpf oeq, %concatenate3A_154, %eq3A_278 : vector<608x8xf32>
    %jit3A_280 = arith.constant -5.000000e+04 : f32
    %broadcast_in_dim3A_281 = vector.broadcast %jit3A_280 : f32 to vector<608x8xf32>
    %select_n3A_282 = arith.select %eq3A_279, %broadcast_in_dim3A_281, %mul3A_276 : vector<608x8xi1>, vector<608x8xf32>
    %reduce_max3A_283 = arith.constant dense<0xFF800000> : vector<608xf32>
    %reduce_max3A_284 = vector.multi_reduction <maximumf>, %select_n3A_282, %reduce_max3A_283 [1] : vector<608x8xf32> to vector<608xf32>
    %broadcast_in_dim3A_285 = vector.shape_cast %reduce_max3A_284 : vector<608xf32> to vector<608x1xf32>
    %sub3A_286 = vector.broadcast %broadcast_in_dim3A_285 : vector<608x1xf32> to vector<608x8xf32>
    %sub3A_287 = arith.subf %select_n3A_282, %sub3A_286 : vector<608x8xf32>
    %exp3A_288 = math.exp %sub3A_287 : vector<608x8xf32>
    %reduce_sum3A_289 = arith.constant dense<0.000000e+00> : vector<608xf32>
    %reduce_sum3A_290 = vector.multi_reduction <add>, %exp3A_288, %reduce_sum3A_289 [1] : vector<608x8xf32> to vector<608xf32>
    %broadcast_in_dim3A_291 = vector.shape_cast %reduce_sum3A_290 : vector<608xf32> to vector<608x1xf32>
    %log3A_292 = math.log %broadcast_in_dim3A_291 : vector<608x1xf32>
    %add3A_293 = arith.addf %broadcast_in_dim3A_285, %log3A_292 : vector<608x1xf32>
    %div3A_294 = vector.broadcast %broadcast_in_dim3A_291 : vector<608x1xf32> to vector<608x8xf32>
    %div3A_295 = arith.divf %exp3A_288, %div3A_294 : vector<608x8xf32>
    %convert_element_type3A_296 = arith.truncf %div3A_295 : vector<608x8xf32> to vector<608x8xbf16>
    %convert_element_type3A_297 = arith.extf %convert_element_type3A_296 : vector<608x8xbf16> to vector<608x8xf32>
    %broadcast_in_dim3A_298 = vector.shape_cast %convert_element_type3A_297 : vector<608x8xf32> to vector<608x8x1xf32>
    %mul3A_299 = vector.broadcast %broadcast_in_dim3A_298 : vector<608x8x1xf32> to vector<608x8x64xf32>
    %mul3A_300 = arith.mulf %mul3A_299, %convert_element_type3A_158 : vector<608x8x64xf32>
    %reduce_sum3A_301 = arith.constant dense<0.000000e+00> : vector<608x64xf32>
    %reduce_sum3A_302 = vector.multi_reduction <add>, %mul3A_300, %reduce_sum3A_301 [1] : vector<608x8x64xf32> to vector<608x64xf32>
    %concatenate3A_303 = tpu.concatenate %reduce_sum3A_302, %add3A_293 in 1 : vector<608x64xf32>, vector<608x1xf32> -> vector<608x65xf32>
    %broadcast_in_dim3A_304 = vector.shape_cast %concatenate3A_303 : vector<608x65xf32> to vector<608x1x65xf32>
    %concatenate3A_305 = tpu.concatenate %broadcast_in_dim3A_190, %broadcast_in_dim3A_228, %broadcast_in_dim3A_266, %broadcast_in_dim3A_304 in 1 : vector<608x1x65xf32>, vector<608x1x65xf32>, vector<608x1x65xf32>, vector<608x1x65xf32> -> vector<608x4x65xf32>
    %reshape3A_306 = vector.shape_cast %concatenate3A_305 : vector<608x4x65xf32> to vector<2432x65xf32>
    %slice3A_307 = vector.extract_strided_slice %reshape3A_306 {offsets = [0, 0], sizes = [608, 65], strides = [1, 1]} : vector<2432x65xf32> to vector<608x65xf32>
    %dot_general3A_308 = arith.constant dense<0.000000e+00> : vector<608x65xf32>
    %dot_general3A_309 = tpu.matmul %convert_element_type3A_47, %slice3A_307, %dot_general3A_308 {dimension_numbers = #tpu.dot_dimension_numbers<[1], [0], [0], [1], [0, 0, 1, 1], [], []>, precision = #tpu.contract_precision<fp32>, transpose_lhs_hint = false} : vector<608x608xf32>, vector<608x65xf32>, vector<608x65xf32> -> vector<608x65xf32>
    %slice3A_310 = vector.extract_strided_slice %dot_general3A_309 {offsets = [0, 0], sizes = [608, 64], strides = [1, 1]} : vector<608x65xf32> to vector<608x64xf32>
    %slice3A_311 = vector.extract_strided_slice %dot_general3A_309 {offsets = [0, 64], sizes = [608, 1], strides = [1, 1]} : vector<608x65xf32> to vector<608x1xf32>
    %slice3A_312 = vector.extract_strided_slice %reshape3A_306 {offsets = [608, 0], sizes = [608, 65], strides = [1, 1]} : vector<2432x65xf32> to vector<608x65xf32>
    %dot_general3A_313 = arith.constant dense<0.000000e+00> : vector<608x65xf32>
    %dot_general3A_314 = tpu.matmul %convert_element_type3A_71, %slice3A_312, %dot_general3A_313 {dimension_numbers = #tpu.dot_dimension_numbers<[1], [0], [0], [1], [0, 0, 1, 1], [], []>, precision = #tpu.contract_precision<fp32>, transpose_lhs_hint = false} : vector<608x608xf32>, vector<608x65xf32>, vector<608x65xf32> -> vector<608x65xf32>
    %slice3A_315 = vector.extract_strided_slice %dot_general3A_314 {offsets = [0, 0], sizes = [608, 64], strides = [1, 1]} : vector<608x65xf32> to vector<608x64xf32>
    %slice3A_316 = vector.extract_strided_slice %dot_general3A_314 {offsets = [0, 64], sizes = [608, 1], strides = [1, 1]} : vector<608x65xf32> to vector<608x1xf32>
    %slice3A_317 = vector.extract_strided_slice %reshape3A_306 {offsets = [1216, 0], sizes = [608, 65], strides = [1, 1]} : vector<2432x65xf32> to vector<608x65xf32>
    %dot_general3A_318 = arith.constant dense<0.000000e+00> : vector<608x65xf32>
    %dot_general3A_319 = tpu.matmul %convert_element_type3A_96, %slice3A_317, %dot_general3A_318 {dimension_numbers = #tpu.dot_dimension_numbers<[1], [0], [0], [1], [0, 0, 1, 1], [], []>, precision = #tpu.contract_precision<fp32>, transpose_lhs_hint = false} : vector<608x608xf32>, vector<608x65xf32>, vector<608x65xf32> -> vector<608x65xf32>
    %slice3A_320 = vector.extract_strided_slice %dot_general3A_319 {offsets = [0, 0], sizes = [608, 64], strides = [1, 1]} : vector<608x65xf32> to vector<608x64xf32>
    %slice3A_321 = vector.extract_strided_slice %dot_general3A_319 {offsets = [0, 64], sizes = [608, 1], strides = [1, 1]} : vector<608x65xf32> to vector<608x1xf32>
    %slice3A_322 = vector.extract_strided_slice %reshape3A_306 {offsets = [1824, 0], sizes = [608, 65], strides = [1, 1]} : vector<2432x65xf32> to vector<608x65xf32>
    %dot_general3A_323 = arith.constant dense<0.000000e+00> : vector<608x65xf32>
    %dot_general3A_324 = tpu.matmul %convert_element_type3A_121, %slice3A_322, %dot_general3A_323 {dimension_numbers = #tpu.dot_dimension_numbers<[1], [0], [0], [1], [0, 0, 1, 1], [], []>, precision = #tpu.contract_precision<fp32>, transpose_lhs_hint = false} : vector<608x608xf32>, vector<608x65xf32>, vector<608x65xf32> -> vector<608x65xf32>
    %slice3A_325 = vector.extract_strided_slice %dot_general3A_324 {offsets = [0, 0], sizes = [608, 64], strides = [1, 1]} : vector<608x65xf32> to vector<608x64xf32>
    %slice3A_326 = vector.extract_strided_slice %dot_general3A_324 {offsets = [0, 64], sizes = [608, 1], strides = [1, 1]} : vector<608x65xf32> to vector<608x1xf32>
    %concatenate3A_327 = tpu.concatenate %slice3A_311, %slice3A_316, %slice3A_321, %slice3A_326 in 1 : vector<608x1xf32>, vector<608x1xf32>, vector<608x1xf32>, vector<608x1xf32> -> vector<608x4xf32>
    %reduce_max3A_328 = arith.constant dense<0xFF800000> : vector<608xf32>
    %reduce_max3A_329 = vector.multi_reduction <maximumf>, %concatenate3A_327, %reduce_max3A_328 [1] : vector<608x4xf32> to vector<608xf32>
    %broadcast_in_dim3A_330 = vector.shape_cast %reduce_max3A_329 : vector<608xf32> to vector<608x1xf32>
    %sub3A_331 = vector.broadcast %broadcast_in_dim3A_330 : vector<608x1xf32> to vector<608x4xf32>
    %sub3A_332 = arith.subf %concatenate3A_327, %sub3A_331 : vector<608x4xf32>
    %exp3A_333 = math.exp %sub3A_332 : vector<608x4xf32>
    %reduce_sum3A_334 = arith.constant dense<0.000000e+00> : vector<608xf32>
    %reduce_sum3A_335 = vector.multi_reduction <add>, %exp3A_333, %reduce_sum3A_334 [1] : vector<608x4xf32> to vector<608xf32>
    %broadcast_in_dim3A_336 = vector.shape_cast %reduce_sum3A_335 : vector<608xf32> to vector<608x1xf32>
    %div3A_337 = vector.broadcast %broadcast_in_dim3A_336 : vector<608x1xf32> to vector<608x4xf32>
    %div3A_338 = arith.divf %exp3A_333, %div3A_337 : vector<608x4xf32>
    %slice3A_339 = vector.extract_strided_slice %div3A_338 {offsets = [0, 0], sizes = [608, 1], strides = [1, 1]} : vector<608x4xf32> to vector<608x1xf32>
    %mul3A_340 = vector.broadcast %slice3A_339 : vector<608x1xf32> to vector<608x64xf32>
    %mul3A_341 = arith.mulf %mul3A_340, %slice3A_310 : vector<608x64xf32>
    %slice3A_342 = vector.extract_strided_slice %div3A_338 {offsets = [0, 1], sizes = [608, 1], strides = [1, 1]} : vector<608x4xf32> to vector<608x1xf32>
    %mul3A_343 = vector.broadcast %slice3A_342 : vector<608x1xf32> to vector<608x64xf32>
    %mul3A_344 = arith.mulf %mul3A_343, %slice3A_315 : vector<608x64xf32>
    %add3A_345 = arith.addf %mul3A_341, %mul3A_344 : vector<608x64xf32>
    %slice3A_346 = vector.extract_strided_slice %div3A_338 {offsets = [0, 2], sizes = [608, 1], strides = [1, 1]} : vector<608x4xf32> to vector<608x1xf32>
    %mul3A_347 = vector.broadcast %slice3A_346 : vector<608x1xf32> to vector<608x64xf32>
    %mul3A_348 = arith.mulf %mul3A_347, %slice3A_320 : vector<608x64xf32>
    %add3A_349 = arith.addf %add3A_345, %mul3A_348 : vector<608x64xf32>
    %slice3A_350 = vector.extract_strided_slice %div3A_338 {offsets = [0, 3], sizes = [608, 1], strides = [1, 1]} : vector<608x4xf32> to vector<608x1xf32>
    %mul3A_351 = vector.broadcast %slice3A_350 : vector<608x1xf32> to vector<608x64xf32>
    %mul3A_352 = arith.mulf %mul3A_351, %slice3A_325 : vector<608x64xf32>
    %add3A_353 = arith.addf %add3A_349, %mul3A_352 : vector<608x64xf32>
    %swap3A = arith.constant 0 : index
    %swap3A_354 = arith.constant 0 : index
    %swap3A_355 = arith.constant 0 : index
    %swap3A_356 = vector.load %arg4[%swap3A, %swap3A_354, %swap3A_355] : memref<1x608x64xf32, #tpu.memory_space<vmem>>, vector<1x608x64xf32>
    %swap3A_357 = vector.shape_cast %swap3A_356 : vector<1x608x64xf32> to vector<608x64xf32>
    %swap3A_358 = vector.shape_cast %add3A_353 : vector<608x64xf32> to vector<1x608x64xf32>
    tpu.vector_store %arg4[%swap3A, %swap3A_354, %swap3A_355], %swap3A_358 {strides = array<i32>} : memref<1x608x64xf32, #tpu.memory_space<vmem>>, vector<1x608x64xf32>,
    return
  }
  func.func @transform_0(%arg0: i32) -> (i32, i32, i32) {
    %c0_i32 = arith.constant 0 : i32
    %c0_i32_0 = arith.constant 0 : i32
    %c0_i32_1 = arith.constant 0 : i32
    return %arg0, %c0_i32, %c0_i32_0 : i32, i32, i32
  }
  func.func @transform_1(%arg0: i32) -> (i32, i32, i32) {
    %c0_i32 = arith.constant 0 : i32
    %c0_i32_0 = arith.constant 0 : i32
    %c0_i32_1 = arith.constant 0 : i32
    return %arg0, %c0_i32, %c0_i32_0 : i32, i32, i32
  }
  func.func @transform_2(%arg0: i32) -> (i32, i32, i32, i32) {
    %c0_i32 = arith.constant 0 : i32
    %c0_i32_0 = arith.constant 0 : i32
    %c0_i32_1 = arith.constant 0 : i32
    %c0_i32_2 = arith.constant 0 : i32
    return %arg0, %c0_i32, %c0_i32_0, %c0_i32_1 : i32, i32, i32, i32
  }
  func.func @transform_3(%arg0: i32) -> (i32, i32, i32) {
    %c0_i32 = arith.constant 0 : i32
    %c0_i32_0 = arith.constant 0 : i32
    %c0_i32_1 = arith.constant 0 : i32
    return %arg0, %c0_i32, %c0_i32_0 : i32, i32, i32
  }
}

module attributes {stable_mosaic.version = 14 : i64} {
  func.func @_post_body(%arg0: i32, %arg1: memref<1x608x512xf32, #tpu.memory_space<vmem>>, %arg2: memref<1x608x512xf32, #tpu.memory_space<vmem>>, %arg3: memref<512x512xf32, #tpu.memory_space<vmem>>, %arg4: memref<1x512xf32, #tpu.memory_space<vmem>>, %arg5: memref<512x2048xf32, #tpu.memory_space<vmem>>, %arg6: memref<1x2048xf32, #tpu.memory_space<vmem>>, %arg7: memref<2048x512xf32, #tpu.memory_space<vmem>>, %arg8: memref<1x512xf32, #tpu.memory_space<vmem>>, %arg9: memref<1x512xf32, #tpu.memory_space<vmem>>, %arg10: memref<1x512xf32, #tpu.memory_space<vmem>>, %arg11: memref<1x512xf32, #tpu.memory_space<vmem>>, %arg12: memref<1x512xf32, #tpu.memory_space<vmem>>, %arg13: memref<1x608x512xf32, #tpu.memory_space<vmem>>) attributes {dimension_semantics = [#tpu.dimension_semantics<arbitrary>], iteration_bounds = array<i64: 32>, scalar_prefetch = 0 : i64, scratch_operands = 0 : i64, tpu.core_type = #tpu.core_type<tc>, window_params = [{transform_indices = @transform_0, window_bounds = array<i64: 1, 608, 512>}, {transform_indices = @transform_1, window_bounds = array<i64: 1, 608, 512>}, {pipeline_mode = #tpu.pipeline_mode<synchronous>, transform_indices = @transform_2, window_bounds = array<i64: 512, 512>}, {pipeline_mode = #tpu.pipeline_mode<synchronous>, transform_indices = @transform_3, window_bounds = array<i64: 1, 512>}, {pipeline_mode = #tpu.pipeline_mode<synchronous>, transform_indices = @transform_4, window_bounds = array<i64: 512, 2048>}, {pipeline_mode = #tpu.pipeline_mode<synchronous>, transform_indices = @transform_5, window_bounds = array<i64: 1, 2048>}, {pipeline_mode = #tpu.pipeline_mode<synchronous>, transform_indices = @transform_6, window_bounds = array<i64: 2048, 512>}, {pipeline_mode = #tpu.pipeline_mode<synchronous>, transform_indices = @transform_7, window_bounds = array<i64: 1, 512>}, {pipeline_mode = #tpu.pipeline_mode<synchronous>, transform_indices = @transform_8, window_bounds = array<i64: 1, 512>}, {pipeline_mode = #tpu.pipeline_mode<synchronous>, transform_indices = @transform_9, window_bounds = array<i64: 1, 512>}, {pipeline_mode = #tpu.pipeline_mode<synchronous>, transform_indices = @transform_10, window_bounds = array<i64: 1, 512>}, {pipeline_mode = #tpu.pipeline_mode<synchronous>, transform_indices = @transform_11, window_bounds = array<i64: 1, 512>}, {transform_indices = @transform_12, window_bounds = array<i64: 1, 608, 512>}]} {
    %get3A = arith.constant 0 : index
    %get3A_0 = arith.constant 0 : index
    %get3A_1 = arith.constant 0 : index
    %get3A_2 = vector.load %arg1[%get3A, %get3A_0, %get3A_1] : memref<1x608x512xf32, #tpu.memory_space<vmem>>, vector<1x608x512xf32>
    %get3A_3 = vector.shape_cast %get3A_2 : vector<1x608x512xf32> to vector<608x512xf32>
    %get3A_4 = arith.constant 0 : index
    %get3A_5 = arith.constant 0 : index
    %get3A_6 = arith.constant 0 : index
    %get3A_7 = vector.load %arg2[%get3A_4, %get3A_5, %get3A_6] : memref<1x608x512xf32, #tpu.memory_space<vmem>>, vector<1x608x512xf32>
    %get3A_8 = vector.shape_cast %get3A_7 : vector<1x608x512xf32> to vector<608x512xf32>
    %get3A_9 = arith.constant 0 : index
    %get3A_10 = arith.constant 0 : index
    %get3A_11 = vector.load %arg3[%get3A_9, %get3A_10] : memref<512x512xf32, #tpu.memory_space<vmem>>, vector<512x512xf32>
    %dot_general3A = arith.constant dense<0.000000e+00> : vector<608x512xf32>
    %dot_general3A_12 = tpu.matmul %get3A_8, %get3A_11, %dot_general3A {dimension_numbers = #tpu.dot_dimension_numbers<[1], [0], [0], [1], [0, 0, 1, 1], [], []>, transpose_lhs_hint = false} : vector<608x512xf32>, vector<512x512xf32>, vector<608x512xf32> -> vector<608x512xf32>
    %get3A_13 = arith.constant 0 : index
    %get3A_14 = arith.constant 0 : index
    %get3A_15 = vector.load %arg4[%get3A_13, %get3A_14] : memref<1x512xf32, #tpu.memory_space<vmem>>, vector<1x512xf32>
    %add3A = vector.broadcast %get3A_15 : vector<1x512xf32> to vector<608x512xf32>
    %add3A_16 = arith.addf %dot_general3A_12, %add3A : vector<608x512xf32>
    %add3A_17 = arith.addf %get3A_3, %add3A_16 : vector<608x512xf32>
    %get3A_18 = arith.constant 0 : index
    %get3A_19 = arith.constant 0 : index
    %get3A_20 = vector.load %arg9[%get3A_18, %get3A_19] : memref<1x512xf32, #tpu.memory_space<vmem>>, vector<1x512xf32>
    %get3A_21 = arith.constant 0 : index
    %get3A_22 = arith.constant 0 : index
    %get3A_23 = vector.load %arg10[%get3A_21, %get3A_22] : memref<1x512xf32, #tpu.memory_space<vmem>>, vector<1x512xf32>
    %reduce_sum3A = arith.constant dense<0.000000e+00> : vector<608xf32>
    %reduce_sum3A_24 = vector.multi_reduction <add>, %add3A_17, %reduce_sum3A [1] : vector<608x512xf32> to vector<608xf32>
    %broadcast_in_dim3A = vector.shape_cast %reduce_sum3A_24 : vector<608xf32> to vector<608x1xf32>
    %div3A = arith.constant 5.120000e+02 : f32
    %div3A_25 = vector.broadcast %div3A : f32 to vector<608x1xf32>
    %div3A_26 = arith.divf %broadcast_in_dim3A, %div3A_25 : vector<608x1xf32>
    %sub3A = vector.broadcast %div3A_26 : vector<608x1xf32> to vector<608x512xf32>
    %sub3A_27 = arith.subf %add3A_17, %sub3A : vector<608x512xf32>
    %mul3A = arith.mulf %sub3A_27, %sub3A_27 : vector<608x512xf32>
    %reduce_sum3A_28 = arith.constant dense<0.000000e+00> : vector<608xf32>
    %reduce_sum3A_29 = vector.multi_reduction <add>, %mul3A, %reduce_sum3A_28 [1] : vector<608x512xf32> to vector<608xf32>
    %broadcast_in_dim3A_30 = vector.shape_cast %reduce_sum3A_29 : vector<608xf32> to vector<608x1xf32>
    %div3A_31 = arith.constant 5.120000e+02 : f32
    %div3A_32 = vector.broadcast %div3A_31 : f32 to vector<608x1xf32>
    %div3A_33 = arith.divf %broadcast_in_dim3A_30, %div3A_32 : vector<608x1xf32>
    %add3A_34 = arith.constant 9.99999974E-6 : f32
    %add3A_35 = vector.broadcast %add3A_34 : f32 to vector<608x1xf32>
    %add3A_36 = arith.addf %div3A_33, %add3A_35 : vector<608x1xf32>
    %sqrt3A = math.sqrt %add3A_36 : vector<608x1xf32>
    %div3A_37 = vector.broadcast %sqrt3A : vector<608x1xf32> to vector<608x512xf32>
    %div3A_38 = arith.divf %sub3A_27, %div3A_37 : vector<608x512xf32>
    %mul3A_39 = vector.broadcast %get3A_20 : vector<1x512xf32> to vector<608x512xf32>
    %mul3A_40 = arith.mulf %div3A_38, %mul3A_39 : vector<608x512xf32>
    %add3A_41 = vector.broadcast %get3A_23 : vector<1x512xf32> to vector<608x512xf32>
    %add3A_42 = arith.addf %mul3A_40, %add3A_41 : vector<608x512xf32>
    %get3A_43 = arith.constant 0 : index
    %get3A_44 = arith.constant 0 : index
    %get3A_45 = vector.load %arg5[%get3A_43, %get3A_44] : memref<512x2048xf32, #tpu.memory_space<vmem>>, vector<512x2048xf32>
    %dot_general3A_46 = arith.constant dense<0.000000e+00> : vector<608x2048xf32>
    %dot_general3A_47 = tpu.matmul %add3A_42, %get3A_45, %dot_general3A_46 {dimension_numbers = #tpu.dot_dimension_numbers<[1], [0], [0], [1], [0, 0, 1, 1], [], []>, transpose_lhs_hint = false} : vector<608x512xf32>, vector<512x2048xf32>, vector<608x2048xf32> -> vector<608x2048xf32>
    %get3A_48 = arith.constant 0 : index
    %get3A_49 = arith.constant 0 : index
    %get3A_50 = vector.load %arg6[%get3A_48, %get3A_49] : memref<1x2048xf32, #tpu.memory_space<vmem>>, vector<1x2048xf32>
    %add3A_51 = vector.broadcast %get3A_50 : vector<1x2048xf32> to vector<608x2048xf32>
    %add3A_52 = arith.addf %dot_general3A_47, %add3A_51 : vector<608x2048xf32>
    %integer_pow3A = arith.mulf %add3A_52, %add3A_52 : vector<608x2048xf32>
    %integer_pow3A_53 = arith.mulf %add3A_52, %integer_pow3A : vector<608x2048xf32>
    %mul3A_54 = arith.constant 4.471500e-02 : f32
    %mul3A_55 = vector.broadcast %mul3A_54 : f32 to vector<608x2048xf32>
    %mul3A_56 = arith.mulf %mul3A_55, %integer_pow3A_53 : vector<608x2048xf32>
    %add3A_57 = arith.addf %add3A_52, %mul3A_56 : vector<608x2048xf32>
    %mul3A_58 = arith.constant 0.797884583 : f32
    %mul3A_59 = vector.broadcast %mul3A_58 : f32 to vector<608x2048xf32>
    %mul3A_60 = arith.mulf %mul3A_59, %add3A_57 : vector<608x2048xf32>
    %tanh3A = math.tanh %mul3A_60 : vector<608x2048xf32>
    %add3A_61 = arith.constant 1.000000e+00 : f32
    %add3A_62 = vector.broadcast %add3A_61 : f32 to vector<608x2048xf32>
    %add3A_63 = arith.addf %add3A_62, %tanh3A : vector<608x2048xf32>
    %mul3A_64 = arith.constant 5.000000e-01 : f32
    %mul3A_65 = vector.broadcast %mul3A_64 : f32 to vector<608x2048xf32>
    %mul3A_66 = arith.mulf %mul3A_65, %add3A_63 : vector<608x2048xf32>
    %mul3A_67 = arith.mulf %add3A_52, %mul3A_66 : vector<608x2048xf32>
    %get3A_68 = arith.constant 0 : index
    %get3A_69 = arith.constant 0 : index
    %get3A_70 = vector.load %arg7[%get3A_68, %get3A_69] : memref<2048x512xf32, #tpu.memory_space<vmem>>, vector<2048x512xf32>
    %dot_general3A_71 = arith.constant dense<0.000000e+00> : vector<608x512xf32>
    %dot_general3A_72 = tpu.matmul %mul3A_67, %get3A_70, %dot_general3A_71 {dimension_numbers = #tpu.dot_dimension_numbers<[1], [0], [0], [1], [0, 0, 1, 1], [], []>, transpose_lhs_hint = false} : vector<608x2048xf32>, vector<2048x512xf32>, vector<608x512xf32> -> vector<608x512xf32>
    %get3A_73 = arith.constant 0 : index
    %get3A_74 = arith.constant 0 : index
    %get3A_75 = vector.load %arg8[%get3A_73, %get3A_74] : memref<1x512xf32, #tpu.memory_space<vmem>>, vector<1x512xf32>
    %add3A_76 = vector.broadcast %get3A_75 : vector<1x512xf32> to vector<608x512xf32>
    %add3A_77 = arith.addf %dot_general3A_72, %add3A_76 : vector<608x512xf32>
    %add3A_78 = arith.addf %add3A_42, %add3A_77 : vector<608x512xf32>
    %get3A_79 = arith.constant 0 : index
    %get3A_80 = arith.constant 0 : index
    %get3A_81 = vector.load %arg11[%get3A_79, %get3A_80] : memref<1x512xf32, #tpu.memory_space<vmem>>, vector<1x512xf32>
    %get3A_82 = arith.constant 0 : index
    %get3A_83 = arith.constant 0 : index
    %get3A_84 = vector.load %arg12[%get3A_82, %get3A_83] : memref<1x512xf32, #tpu.memory_space<vmem>>, vector<1x512xf32>
    %reduce_sum3A_85 = arith.constant dense<0.000000e+00> : vector<608xf32>
    %reduce_sum3A_86 = vector.multi_reduction <add>, %add3A_78, %reduce_sum3A_85 [1] : vector<608x512xf32> to vector<608xf32>
    %broadcast_in_dim3A_87 = vector.shape_cast %reduce_sum3A_86 : vector<608xf32> to vector<608x1xf32>
    %div3A_88 = arith.constant 5.120000e+02 : f32
    %div3A_89 = vector.broadcast %div3A_88 : f32 to vector<608x1xf32>
    %div3A_90 = arith.divf %broadcast_in_dim3A_87, %div3A_89 : vector<608x1xf32>
    %sub3A_91 = vector.broadcast %div3A_90 : vector<608x1xf32> to vector<608x512xf32>
    %sub3A_92 = arith.subf %add3A_78, %sub3A_91 : vector<608x512xf32>
    %mul3A_93 = arith.mulf %sub3A_92, %sub3A_92 : vector<608x512xf32>
    %reduce_sum3A_94 = arith.constant dense<0.000000e+00> : vector<608xf32>
    %reduce_sum3A_95 = vector.multi_reduction <add>, %mul3A_93, %reduce_sum3A_94 [1] : vector<608x512xf32> to vector<608xf32>
    %broadcast_in_dim3A_96 = vector.shape_cast %reduce_sum3A_95 : vector<608xf32> to vector<608x1xf32>
    %div3A_97 = arith.constant 5.120000e+02 : f32
    %div3A_98 = vector.broadcast %div3A_97 : f32 to vector<608x1xf32>
    %div3A_99 = arith.divf %broadcast_in_dim3A_96, %div3A_98 : vector<608x1xf32>
    %add3A_100 = arith.constant 9.99999974E-6 : f32
    %add3A_101 = vector.broadcast %add3A_100 : f32 to vector<608x1xf32>
    %add3A_102 = arith.addf %div3A_99, %add3A_101 : vector<608x1xf32>
    %sqrt3A_103 = math.sqrt %add3A_102 : vector<608x1xf32>
    %div3A_104 = vector.broadcast %sqrt3A_103 : vector<608x1xf32> to vector<608x512xf32>
    %div3A_105 = arith.divf %sub3A_92, %div3A_104 : vector<608x512xf32>
    %mul3A_106 = vector.broadcast %get3A_81 : vector<1x512xf32> to vector<608x512xf32>
    %mul3A_107 = arith.mulf %div3A_105, %mul3A_106 : vector<608x512xf32>
    %add3A_108 = vector.broadcast %get3A_84 : vector<1x512xf32> to vector<608x512xf32>
    %add3A_109 = arith.addf %mul3A_107, %add3A_108 : vector<608x512xf32>
    %swap3A = arith.constant 0 : index
    %swap3A_110 = arith.constant 0 : index
    %swap3A_111 = arith.constant 0 : index
    %swap3A_112 = vector.load %arg13[%swap3A, %swap3A_110, %swap3A_111] : memref<1x608x512xf32, #tpu.memory_space<vmem>>, vector<1x608x512xf32>
    %swap3A_113 = vector.shape_cast %swap3A_112 : vector<1x608x512xf32> to vector<608x512xf32>
    %swap3A_114 = vector.shape_cast %add3A_109 : vector<608x512xf32> to vector<1x608x512xf32>
    tpu.vector_store %arg13[%swap3A, %swap3A_110, %swap3A_111], %swap3A_114 {strides = array<i32>} : memref<1x608x512xf32, #tpu.memory_space<vmem>>, vector<1x608x512xf32>,
    return
  }
  func.func @transform_0(%arg0: i32) -> (i32, i32, i32) {
    %c0_i32 = arith.constant 0 : i32
    %c0_i32_0 = arith.constant 0 : i32
    %c0_i32_1 = arith.constant 0 : i32
    return %arg0, %c0_i32, %c0_i32_0 : i32, i32, i32
  }
  func.func @transform_1(%arg0: i32) -> (i32, i32, i32) {
    %c0_i32 = arith.constant 0 : i32
    %c0_i32_0 = arith.constant 0 : i32
    %c0_i32_1 = arith.constant 0 : i32
    return %arg0, %c0_i32, %c0_i32_0 : i32, i32, i32
  }
  func.func @transform_2(%arg0: i32) -> (i32, i32) {
    %c0_i32 = arith.constant 0 : i32
    %c0_i32_0 = arith.constant 0 : i32
    %c0_i32_1 = arith.constant 0 : i32
    return %c0_i32, %c0_i32_0 : i32, i32
  }
  func.func @transform_3(%arg0: i32) -> (i32, i32) {
    %c0_i32 = arith.constant 0 : i32
    %c0_i32_0 = arith.constant 0 : i32
    %c0_i32_1 = arith.constant 0 : i32
    return %c0_i32, %c0_i32_0 : i32, i32
  }
  func.func @transform_4(%arg0: i32) -> (i32, i32) {
    %c0_i32 = arith.constant 0 : i32
    %c0_i32_0 = arith.constant 0 : i32
    %c0_i32_1 = arith.constant 0 : i32
    return %c0_i32, %c0_i32_0 : i32, i32
  }
  func.func @transform_5(%arg0: i32) -> (i32, i32) {
    %c0_i32 = arith.constant 0 : i32
    %c0_i32_0 = arith.constant 0 : i32
    %c0_i32_1 = arith.constant 0 : i32
    return %c0_i32, %c0_i32_0 : i32, i32
  }
  func.func @transform_6(%arg0: i32) -> (i32, i32) {
    %c0_i32 = arith.constant 0 : i32
    %c0_i32_0 = arith.constant 0 : i32
    %c0_i32_1 = arith.constant 0 : i32
    return %c0_i32, %c0_i32_0 : i32, i32
  }
  func.func @transform_7(%arg0: i32) -> (i32, i32) {
    %c0_i32 = arith.constant 0 : i32
    %c0_i32_0 = arith.constant 0 : i32
    %c0_i32_1 = arith.constant 0 : i32
    return %c0_i32, %c0_i32_0 : i32, i32
  }
  func.func @transform_8(%arg0: i32) -> (i32, i32) {
    %c0_i32 = arith.constant 0 : i32
    %c0_i32_0 = arith.constant 0 : i32
    %c0_i32_1 = arith.constant 0 : i32
    return %c0_i32, %c0_i32_0 : i32, i32
  }
  func.func @transform_9(%arg0: i32) -> (i32, i32) {
    %c0_i32 = arith.constant 0 : i32
    %c0_i32_0 = arith.constant 0 : i32
    %c0_i32_1 = arith.constant 0 : i32
    return %c0_i32, %c0_i32_0 : i32, i32
  }
  func.func @transform_10(%arg0: i32) -> (i32, i32) {
    %c0_i32 = arith.constant 0 : i32
    %c0_i32_0 = arith.constant 0 : i32
    %c0_i32_1 = arith.constant 0 : i32
    return %c0_i32, %c0_i32_0 : i32, i32
  }
  func.func @transform_11(%arg0: i32) -> (i32, i32) {
    %c0_i32 = arith.constant 0 : i32
    %c0_i32_0 = arith.constant 0 : i32
    %c0_i32_1 = arith.constant 0 : i32
    return %c0_i32, %c0_i32_0 : i32, i32
  }
  func.func @transform_12(%arg0: i32) -> (i32, i32, i32) {
    %c0_i32 = arith.constant 0 : i32
    %c0_i32_0 = arith.constant 0 : i32
    %c0_i32_1 = arith.constant 0 : i32
    return %arg0, %c0_i32, %c0_i32_0 : i32, i32, i32
  }
}

module attributes {stable_mosaic.version = 14 : i64} {
  func.func @_final_body(%arg0: i32, %arg1: memref<1x96x512xf32, #tpu.memory_space<vmem>>, %arg2: memref<1x512xf32, #tpu.memory_space<vmem>>, %arg3: memref<1x512xf32, #tpu.memory_space<vmem>>, %arg4: memref<512x7xf32, #tpu.memory_space<vmem>>, %arg5: memref<1x7xf32, #tpu.memory_space<vmem>>, %arg6: memref<1x96x7xf32, #tpu.memory_space<vmem>>) attributes {dimension_semantics = [#tpu.dimension_semantics<arbitrary>], iteration_bounds = array<i64: 32>, scalar_prefetch = 0 : i64, scratch_operands = 0 : i64, tpu.core_type = #tpu.core_type<tc>, window_params = [{transform_indices = @transform_0, window_bounds = array<i64: 1, 96, 512>}, {pipeline_mode = #tpu.pipeline_mode<synchronous>, transform_indices = @transform_1, window_bounds = array<i64: 1, 512>}, {pipeline_mode = #tpu.pipeline_mode<synchronous>, transform_indices = @transform_2, window_bounds = array<i64: 1, 512>}, {pipeline_mode = #tpu.pipeline_mode<synchronous>, transform_indices = @transform_3, window_bounds = array<i64: 512, 7>}, {pipeline_mode = #tpu.pipeline_mode<synchronous>, transform_indices = @transform_4, window_bounds = array<i64: 1, 7>}, {transform_indices = @transform_5, window_bounds = array<i64: 1, 96, 7>}]} {
    %get3A = arith.constant 0 : index
    %get3A_0 = arith.constant 0 : index
    %get3A_1 = arith.constant 0 : index
    %get3A_2 = vector.load %arg1[%get3A, %get3A_0, %get3A_1] : memref<1x96x512xf32, #tpu.memory_space<vmem>>, vector<1x96x512xf32>
    %get3A_3 = vector.shape_cast %get3A_2 : vector<1x96x512xf32> to vector<96x512xf32>
    %get3A_4 = arith.constant 0 : index
    %get3A_5 = arith.constant 0 : index
    %get3A_6 = vector.load %arg2[%get3A_4, %get3A_5] : memref<1x512xf32, #tpu.memory_space<vmem>>, vector<1x512xf32>
    %get3A_7 = arith.constant 0 : index
    %get3A_8 = arith.constant 0 : index
    %get3A_9 = vector.load %arg3[%get3A_7, %get3A_8] : memref<1x512xf32, #tpu.memory_space<vmem>>, vector<1x512xf32>
    %reduce_sum3A = arith.constant dense<0.000000e+00> : vector<96xf32>
    %reduce_sum3A_10 = vector.multi_reduction <add>, %get3A_3, %reduce_sum3A [1] : vector<96x512xf32> to vector<96xf32>
    %broadcast_in_dim3A = vector.shape_cast %reduce_sum3A_10 : vector<96xf32> to vector<96x1xf32>
    %div3A = arith.constant 5.120000e+02 : f32
    %div3A_11 = vector.broadcast %div3A : f32 to vector<96x1xf32>
    %div3A_12 = arith.divf %broadcast_in_dim3A, %div3A_11 : vector<96x1xf32>
    %sub3A = vector.broadcast %div3A_12 : vector<96x1xf32> to vector<96x512xf32>
    %sub3A_13 = arith.subf %get3A_3, %sub3A : vector<96x512xf32>
    %mul3A = arith.mulf %sub3A_13, %sub3A_13 : vector<96x512xf32>
    %reduce_sum3A_14 = arith.constant dense<0.000000e+00> : vector<96xf32>
    %reduce_sum3A_15 = vector.multi_reduction <add>, %mul3A, %reduce_sum3A_14 [1] : vector<96x512xf32> to vector<96xf32>
    %broadcast_in_dim3A_16 = vector.shape_cast %reduce_sum3A_15 : vector<96xf32> to vector<96x1xf32>
    %div3A_17 = arith.constant 5.120000e+02 : f32
    %div3A_18 = vector.broadcast %div3A_17 : f32 to vector<96x1xf32>
    %div3A_19 = arith.divf %broadcast_in_dim3A_16, %div3A_18 : vector<96x1xf32>
    %add3A = arith.constant 9.99999974E-6 : f32
    %add3A_20 = vector.broadcast %add3A : f32 to vector<96x1xf32>
    %add3A_21 = arith.addf %div3A_19, %add3A_20 : vector<96x1xf32>
    %sqrt3A = math.sqrt %add3A_21 : vector<96x1xf32>
    %div3A_22 = vector.broadcast %sqrt3A : vector<96x1xf32> to vector<96x512xf32>
    %div3A_23 = arith.divf %sub3A_13, %div3A_22 : vector<96x512xf32>
    %mul3A_24 = vector.broadcast %get3A_6 : vector<1x512xf32> to vector<96x512xf32>
    %mul3A_25 = arith.mulf %div3A_23, %mul3A_24 : vector<96x512xf32>
    %add3A_26 = vector.broadcast %get3A_9 : vector<1x512xf32> to vector<96x512xf32>
    %add3A_27 = arith.addf %mul3A_25, %add3A_26 : vector<96x512xf32>
    %get3A_28 = arith.constant 0 : index
    %get3A_29 = arith.constant 0 : index
    %get3A_30 = vector.load %arg4[%get3A_28, %get3A_29] : memref<512x7xf32, #tpu.memory_space<vmem>>, vector<512x7xf32>
    %dot_general3A = arith.constant dense<0.000000e+00> : vector<96x7xf32>
    %dot_general3A_31 = tpu.matmul %add3A_27, %get3A_30, %dot_general3A {dimension_numbers = #tpu.dot_dimension_numbers<[1], [0], [0], [1], [0, 0, 1, 1], [], []>, transpose_lhs_hint = false} : vector<96x512xf32>, vector<512x7xf32>, vector<96x7xf32> -> vector<96x7xf32>
    %get3A_32 = arith.constant 0 : index
    %get3A_33 = arith.constant 0 : index
    %get3A_34 = vector.load %arg5[%get3A_32, %get3A_33] : memref<1x7xf32, #tpu.memory_space<vmem>>, vector<1x7xf32>
    %add3A_35 = vector.broadcast %get3A_34 : vector<1x7xf32> to vector<96x7xf32>
    %add3A_36 = arith.addf %dot_general3A_31, %add3A_35 : vector<96x7xf32>
    %swap3A = arith.constant 0 : index
    %swap3A_37 = arith.constant 0 : index
    %swap3A_38 = arith.constant 0 : index
    %swap3A_39 = vector.load %arg6[%swap3A, %swap3A_37, %swap3A_38] : memref<1x96x7xf32, #tpu.memory_space<vmem>>, vector<1x96x7xf32>
    %swap3A_40 = vector.shape_cast %swap3A_39 : vector<1x96x7xf32> to vector<96x7xf32>
    %swap3A_41 = vector.shape_cast %add3A_36 : vector<96x7xf32> to vector<1x96x7xf32>
    tpu.vector_store %arg6[%swap3A, %swap3A_37, %swap3A_38], %swap3A_41 {strides = array<i32>} : memref<1x96x7xf32, #tpu.memory_space<vmem>>, vector<1x96x7xf32>,
    return
  }
  func.func @transform_0(%arg0: i32) -> (i32, i32, i32) {
    %c0_i32 = arith.constant 0 : i32
    %c0_i32_0 = arith.constant 0 : i32
    %c0_i32_1 = arith.constant 0 : i32
    return %arg0, %c0_i32, %c0_i32_0 : i32, i32, i32
  }
  func.func @transform_1(%arg0: i32) -> (i32, i32) {
    %c0_i32 = arith.constant 0 : i32
    %c0_i32_0 = arith.constant 0 : i32
    %c0_i32_1 = arith.constant 0 : i32
    return %c0_i32, %c0_i32_0 : i32, i32
  }
  func.func @transform_2(%arg0: i32) -> (i32, i32) {
    %c0_i32 = arith.constant 0 : i32
    %c0_i32_0 = arith.constant 0 : i32
    %c0_i32_1 = arith.constant 0 : i32
    return %c0_i32, %c0_i32_0 : i32, i32
  }
  func.func @transform_3(%arg0: i32) -> (i32, i32) {
    %c0_i32 = arith.constant 0 : i32
    %c0_i32_0 = arith.constant 0 : i32
    %c0_i32_1 = arith.constant 0 : i32
    return %c0_i32, %c0_i32_0 : i32, i32
  }
  func.func @transform_4(%arg0: i32) -> (i32, i32) {
    %c0_i32 = arith.constant 0 : i32
    %c0_i32_0 = arith.constant 0 : i32
    %c0_i32_1 = arith.constant 0 : i32
    return %c0_i32, %c0_i32_0 : i32, i32
  }
  func.func @transform_5(%arg0: i32) -> (i32, i32, i32) {
    %c0_i32 = arith.constant 0 : i32
    %c0_i32_0 = arith.constant 0 : i32
    %c0_i32_1 = arith.constant 0 : i32
    return %arg0, %c0_i32, %c0_i32_0 : i32, i32, i32
  }
}

</mosaic_0001>

<sc_bundles>
// kernel: sparse-core-data-format-call.1.cloned.1.call-start
scs
called_computation.1_lowered:
.L_overlay_start_0:
0x0: {  	s2 =	sld [smem:$0x3FD9]  }
0x1: {  	s3 =	sld [smem:$0x3FFE];
	_ =	sdelay $0x1  }
0x2: {  	s1 =	srdreg.scid  }
0x3: {  	s0 =	sand.u32 $0x1, s1  }
0x4: {  	s18 =	sshll.u32 s0, $0xA;
	s2 =	sadd.s32 s3, s2  }
0x5: {  	s2 =	sadd.s32 s2, s18  }
0x6: {  	[smem:$0x3FA4] =	sst s2  }
0x7: {  	_ = 	snop  }
0x8: {  	(tm) =	ssettm $0x1  }
0x9: {  	s19 =	sld [smem:$0x3FFB];
	_ =	sdelay $0x3  }
0xa: {  	_ =	strace s19  }
0xb: {  	s2 =	sld [smem:$0x3FFC];
	_ =	sdelay $0x3  }
0xc: {  	_ =	strace s2  }
0xd: {  	s2 =	sld [smem:$0x3FFD];
	_ =	sdelay $0x3  }
0xe: {  	_ =	strace s2  }
0xf: {  	_ =	strace $0x8FFFFFFF  }
0x10: {  	s20 =	sld [smem:$0x3FDB];
	_ =	sdelay $0x1  }
0x11: {  	s21 =	simm.s32 $_scs_section_size  }
0x12: {  	s4 =	simm.s32 $_size__tile_overlayer_lowered;
	s5 =	simm.s32 $_tile_overlayer_lowered  }
0x13: {  	s6 =	simm.s32 $0x1BFF;
	s22 =	sshll.u32 s5, $0x1;
	s3 =	sadd.s32 s21, s20  }
0x14: {  	s23 =	simm.s32 $0x0;
	s4 =	sshll.u32 s4, $0x1;
	s5 =	sadd.s32 s22, s3  }
0x15: {  	[timem:s23], [sflag:s6] =	dma.local [hbm:s5], s4  }
0x16: {  	_ =	swait.ge [sflag:s6], s4  }
0x17: {  	s4 =	ssub.s32 $0x0, s4;
	[sflag:s6] =	ssyncset.done $0x0  }
0x18: {  	[sflag:s6] =	ssyncadd.s32 s4;
	_ =	sdelay $0x1  }
0x19: {  	s24 =	simm.s32 $0x1B8B  }
0x1a: {  	_ =	swait.ge [sflag:s24], $0x1  }
0x1b: {  	[sflag:s24] =	ssyncset.done $0x0  }
0x1c: {  	[sflag:s24] =	ssyncadd.s32 $0xFFFFFFFF  }
0x1d: {  	s4 =	sld [smem:$0x0]  }
0x1e: {  	s5 =	sand.u32 $0xFFFFFFFE, s1  }
0x1f: {  	p0 =	sne.s32 s1, s5  }
0x20: {  	s5 =	sshll.u32 @p0 s5, $0xE  }
0x21: {  	s5 =	sadd.s32 @p0 $0x11B8D, s5;
	s6 =	sshll.u32 @p0 s4, $0x11  }
0x22: {  	s5 =	sor.u32 @p0 s6, s5  }
0x23: {  	[sflag:s5] =	ssyncadd.remote.s32 @p0 $0x1;
	_ =	sdelay $0x1  }
0x24: {  	s5 =	simm.s32 @p0 $0x1B8D  }
0x25: {  	_ =	swait.eq @p0 [sflag:s5], $0x1  }
0x26: {  	[sflag:s5] =	ssyncadd.s32 @p0 $0xFFFFFFFF  }
0x27: {  	s6 =	sshll.u32 @!p0 s1, $0xE  }
0x28: {  	s6 =	sor.u32 @!p0 $0x4000, s6;
	s5 =	simm.s32 @!p0 $0x1B8D  }
0x29: {  	s4 =	sshll.u32 @!p0 s4, $0x11;
	s6 =	sadd.s32 @!p0 $0x11B8D, s6;
	_ =	swait.eq @!p0 [sflag:s5], $0x1  }
0x2a: {  	s4 =	sor.u32 @!p0 s4, s6;
	[sflag:s5] =	ssyncadd.s32 @!p0 $0xFFFFFFFF  }
0x2b: {  	s26 =	simm.s32 $0x1B8E;
	s25 =	sld [smem:$0x3FFE];
	[sflag:s4] =	ssyncadd.remote.s32 @!p0 $0x1  }
0x2c: {  	s27 =	simm.s32 $execute0_lowered;
	[smem:$0x3FD2] =	sst s26  }
0x2d: {  	s5 =	sshll.u32 s27, $0x1;
	_ =	strace $0x80000052;
	[dreg:$0x1] =	wrdreg $0xFFFFFFFF  }
0x2e: {  	s28 =	simm.s32 $_size_execute0_lowered;
	s3 =	sadd.s32 s3, s5;
	[dreg:$0x0] =	wrdreg $0x0  }
0x2f: {  	s5 =	sshll.u32 s28, $0x1;
	[dreg:$0x2] =	wrdreg s3  }
0x30: {  	[dreg:$0x3] =	wrdreg s5  }
0x31: {  	[dreg:$0x4] =	wrdreg $0xC0  }
0x32: {  	_ =	task [dreg:s23], $0x5FFFF  }
0x33: {  	[dreg:$0x1] =	wrdreg $0xFFFFFFFF  }
0x34: {  	[dreg:$0x0] =	wrdreg $0x60  }
0x35: {  	[dreg:$0x2] =	wrdreg s25  }
0x36: {  	[dreg:$0x3] =	wrdreg $0x9  }
0x37: {  	_ =	task.clear_ibuf [dreg:s23], $0x4FFFF;
	_ =	strace $0x90000052  }
0x38: {  	s29 =	simm.s32 $0x9;
	_ =	strace $0x80000054  }
0x39: {  	_ =	swait.ge [sflag:s29], $0x1  }
0x3a: {  	[sflag:s29] =	ssyncadd.s32 $0xFFFFFFFF  }
0x3b: {  	_ =	strace $0x90000054  }
0x3c: {  	_ =	sfence  }
0x3d: {  	s30 =	sld [smem:$0x0];
	_ =	sdelay $0x2  }
0x3e: {  	s31 =	sshll.u32 s1, $0xD;
	s1 =	sshrl.u32 s1, $0x2  }
0x3f: {  	s4 =	sand.u32 $0x4000, s31;
	s1 =	sadd.s32 s1, s30  }
0x40: {  	s0 =	sor.u32 s4, s0;
	s1 =	sshll.u32 s1, $0x11  }
0x41: {  	s0 =	sor.u32 s1, s0  }
0x42: {  	s0 =	sadd.s32 $0x8F2B, s0  }
0x43: {  	[sflag:s0] =	ssyncadd.remote.s32 $0x1  }
0x44: {  	_ =	sfence.sel $0xFFFF  }
0x45: {  	[dreg:$0x0] =	wrdreg $0xFFFFFFFF;
	(pc) =	sbr.abs _section_cstart, $3  }
0x46: {  	[dreg:$0x1] =	wrdreg $0xFFFFFFFF  }
0x47: {  	_ =	task.clear_ibuf [dreg:s23], $0x2FFFF;
	_ =	strace $0x9FFFFFFF  }
0x48: {  	(tm) =	ssettm $0x7FFFFFFF  }
0x49: {  	_ =	shalt  }
tec
execute0_lowered:
.L_overlay_start_1:
0x0: {  	(tag) =	ssettag $0x1  }
0x1: {  	s1 =	rddreg [dreg:$0x0]  }
0x2: {  	s0 =	rddreg [dreg:$0x1];
	_ =	strace $0x80000053  }
0x3: {  	s4 =	srdreg.scid;
	s6 =	simm.s32 $0x2;
	s17 =	simm.s32 $0x0  }
0x4: {  	p0 =	por $0x0, $0x0;
	s16 =	simm.s32 $0x0;
	s18 =	simm.s32 $0x0  }
0x5: {  	s19 =	simm.s32 $0x0;
	s7 =	simm.s32 $0x0;
	s8 =	simm.s32 $0x0  }
0x6: {  	s10 =	simm.s32 $0x0;
	s11 =	simm.s32 $0x0;
	s12 =	simm.s32 $0x0  }
.Ltmp0:
0x7: {  	s13 =	simm.s32 $0x0;
	s14 =	simm.s32 $0x0;
	(pc) =	sbr.rel .LBB1_1-.Ltmp0, $4  }
0x8: {  	s2 =	sadd.s32 $0x1313400, s1;
	s3 =	sadd.s32 $0x1453400, s1;
	s4 =	sshll.u32 s4, $0x4  }
0x9: {  	s1 =	stileid.u32;
	s5 =	sand.u32 $0x10, s4;
	s4 =	simm.s32 $0x1  }
0xa: {  	s9 =	simm.s32 $0x0;
	s5 =	sor.u32 s1, s5;
	[sflag:s4] =	ssyncpa.u1 $0x0  }
0xb: {  	[sflag:s6] =	ssyncpa.u1 $0x0;
	s6 =	simm.s32 $0x80;
	s15 =	smov.u32 s5  }
.LBB1_5:
0xc: {  	p1 =	slt.u32 s9, $0x2;
	s20 =	smov.u32 s19  }
0xd: {  	s23 =	smov.u32 s15;
	s9 =	sadd.s32 $0x1, s9;
	p2 =	sgt.s32 @!p1 s19, $0x1F  }
0xe: {  	p0 =	por !p0, !p0;
	s21 =	sshra.s32 @!p1 s19, $0x1F;
	p2 =	por !p2, p1  }
0xf: {  	s22 =	sshra.s32 @!p1 s18, $0x1F;
	s19 =	sand.u32 @!p1 s21, s19;
	s20 =	simm.s32 @p2 $0x1F  }
0x10: {  	s21 =	smov.u32 s18;
	p2 =	sgt.s32 @!p1 s18, $0x7;
	s19 =	ssub.s32 @!p1 s20, s19  }
0x11: {  	s18 =	sand.u32 @!p1 s22, s18;
	p2 =	por !p2, p1;
	s20 =	sadd.s32 @!p1 $0xFFFFFFE1, s19  }
0x12: {  	s21 =	simm.s32 @p2 $0x7;
	s19 =	ssub.s32 @!p1 $0x20, s19;
	p3 =	sgt.s32 @!p1 s20, $0x0  }
0x13: {  	s18 =	ssub.s32 @!p1 s21, s18;
	s21 =	sshra.s32 @!p1 s17, $0x1F;
	p2 =	por !p3, p1  }
0x14: {  	s20 =	sadd.s32 @!p1 $0xFFFFFFF9, s18;
	s18 =	ssub.s32 @!p1 $0x8, s18;
	p3 =	sgt.s32 @!p1 s17, $0x1E0  }
0x15: {  	s19 =	simm.s32 @!p2 $0x0;
	p2 =	sgt.s32 @!p1 s20, $0x0;
	p3 =	por !p3, p1  }
0x16: {  	s20 =	smov.u32 s17;
	s17 =	sand.u32 @!p1 s21, s17;
	s21 =	sshra.s32 @!p1 s16, $0x1F  }
0x17: {  	p2 =	por !p2, p1;
	s20 =	simm.s32 @p3 $0x1E0;
	p3 =	sgt.s32 @!p1 s16, $0x40  }
0x18: {  	s17 =	ssub.s32 @!p1 s20, s17;
	p3 =	por !p3, p1;
	s20 =	smov.u32 s16  }
0x19: {  	s18 =	simm.s32 @!p2 $0x0;
	s16 =	sand.u32 @!p1 s21, s16;
	s20 =	simm.s32 @p3 $0x40  }
0x1a: {  	s18 =	smul.u32 @!p1 s19, s18;
	s19 =	sadd.s32 @!p1 $0xFFFFFE20, s17;
	s16 =	ssub.s32 @!p1 s20, s16  }
0x1b: {  	s21 =	smov.u32 s13;
	p2 =	sgt.s32 @!p1 s19, $0x7F;
	s19 =	sadd.s32 @!p1 $0xFFFFFFC0, s16  }
0x1c: {  	s20 =	sadd.s32 $0x80, s12;
	s16 =	ssub.s32 @!p1 $0x80, s16;
	p3 =	sgt.s32 @!p1 s19, $0x3F  }
0x1d: {  	p4 =	sgt.s32 s20, $0x25F;
	s19 =	sadd.s32 $0x40, s13;
	p3 =	por !p3, p1  }
0x1e: {  	s24 =	simm.s32 @!p1 $0x2;
	s21 =	smov.u32 @p4 s19;
	s16 =	simm.s32 @!p3 $0x0  }
0x1f: {  	p3 =	sgt.s32 s21, $0x3F;
	s16 =	smul.u32 @!p1 s16, s18;
	s18 =	simm.s32 $0x1  }
0x20: {  	s17 =	ssub.s32 @!p1 $0x260, s17;
	p2 =	por !p2, p1;
	s18 =	simm.s32 @!p3 $0x0  }
0x21: {  	s17 =	simm.s32 @!p2 $0x0;
	s20 =	simm.s32 @p4 $0x0;
	s22 =	sadd.s32 s18, s14  }
0x22: {  	s16 =	smul.u32 @!p1 s17, s16;
	s17 =	sadd.s32 $0x20, s15;
	p2 =	sgt.s32 s22, $0x7  }
0x23: {  	s19 =	smov.u32 s11;
	s11 =	smov.u32 s15;
	s23 =	smov.u32 @p2 s17  }
0x24: {  	s21 =	simm.s32 @p3 $0x0;
	s22 =	simm.s32 @p2 $0x0;
	p2 =	sgt.s32 s23, $0x1F  }
0x25: {  	s18 =	smov.u32 s10;
	s23 =	smov.u32 @p2 s5;
	p2 =	sne.s32 s9, $0x2A  }
.Ltmp1:
0x26: {  	s10 =	smov.u32 s14;
	s16 =	sand.u32 @!p1 $0x3FFFFFFF, s16;
	(pc) =	sbr.rel @!p2 .LBB1_6-.Ltmp1, $4  }
0x27: {  	s17 =	smov.u32 s7;
	s7 =	smov.u32 s12;
	s12 =	smov.u32 s20  }
0x28: {  	_ =	swait.ge @!p1 [sflag:s24], s16;
	s25 =	ssub.s32 @!p1 $0x0, s16;
	s16 =	smov.u32 s8  }
0x29: {  	s8 =	smov.u32 s13;
	s13 =	smov.u32 s21;
	[sflag:s24] =	ssyncset.done @!p1 $0x0  }
0x2a: {  	s14 =	smov.u32 s22;
	[sflag:s24] =	ssyncadd.s32 @!p1 s25;
	s15 =	smov.u32 s23  }
.LBB1_1:
0x2b: {  	p1 =	sgt.u32 s9, $0x27  }
0x2c: {  	s20 =	sshrl.u32 @!p1 s13, $0x3  }
0x2d: {  	s21 =	sshll.u32 @!p1 s12, $0x3;
	s20 =	smul.u32 @!p1 $0x1400, s20  }
0x2e: {  	s22 =	sshll.u32 @!p1 s13, $0x7;
	s21 =	sand.u32 @!p1 $0xFFFFFC00, s21  }
0x2f: {  	s20 =	sadd.s32 @!p1 s20, s21;
	s21 =	sand.u32 @!p1 $0x380, s22  }
0x30: {  	s22 =	sand.u32 @!p1 $0x7F, s12;
	s20 =	sor.u32 @!p1 s21, s20  }
0x31: {  	s21 =	sor.u32 @!p1 s22, s20  }
0x32: {  	s22 =	smulhi.u32 @!p1 $0xCCCCCCCD, s21  }
0x33: {  	s20 =	smulhi.u32 @!p1 $0xCCCCCCCD, s20  }
0x34: {  	s24 =	smul.u32 @!p1 $0xA000, s15;
	s22 =	sshrl.u32 @!p1 s22, $0x9  }
0x35: {  	s23 =	sxor.u32 @!p1 $0xFFFFFFFF, s9;
	s20 =	sshrl.u32 @!p1 s20, $0x9;
	s22 =	smul.u32 @!p1 $0x280, s22  }
0x36: {  	s25 =	smul.u32 @!p1 $0x1400, s14;
	s23 =	sshll.u32 @!p1 s23, $0xD;
	s20 =	sand.u32 @!p1 $0x3F, s20  }
0x37: {  	s20 =	smul.u32 @!p1 $0x50, s20;
	s21 =	ssub.s32 @!p1 s21, s22;
	s22 =	sadd.s32 @!p1 s2, s24  }
0x38: {  	s23 =	sand.u32 @!p1 $0x2000, s23;
	s22 =	sadd.s32 @!p1 s25, s22;
	s24 =	sand.u32 @!p1 $0x7, s21  }
0x39: {  	s21 =	sshrl.u32 @!p1 s21, $0x3;
	s20 =	sadd.s32 @!p1 s20, s22;
	s22 =	sshll.u32 @!p1 s24, $0x12  }
0x3a: {  	s20 =	sadd.s32 @!p1 s21, s20;
	s21 =	sor.u32 @!p1 $0x400, s22;
	s22 =	simm.s32 @!p1 $0x1400  }
0x3b: {  	[tilespmem:s23], [sflag:$0x1] =	stream.strided.gather @!p1 [hbm4b:s20+s21], $0x2000, s22, s21, $0x38;
	[tilespmem:$0x8100] =	vst v63  }
0x3c: {  	p1 =	seq.s32 s9, $0x0  }
0x3d: {  	p2 =	seq.s32 @!p1 s9, $0x29  }
0x3e: {  	p1 =	por p1, p2  }
.Ltmp2:
0x3f: {  	_ = 	snop;
	(pc) =	sbr.rel @p1 .LBB1_5-.Ltmp2, $1  }
0x40: {  	_ =	sdelay $0x3  }
0x41: {  	s20 =	simm.s32 $0x1  }
0x42: {  	_ =	swait.ge [sflag:s4], $0x2000;
	s20 =	simm.s32 @!p0 $0x0  }
0x43: {  	[sflag:s4] =	ssyncset.done $0x0;
	s21 =	sshll.u32 s20, $0xD  }
0x44: {  	[sflag:s4] =	ssyncadd.s32 $0xFFFFE000;
	s21 =	sor.u32 $0x40, s21  }
0x45: {  	s20 =	smul.u32 $0x8200, s20;
	v0 =	vld [tilespmem:s21+$0x30]  }
0x46: {  	v1 =	vld [tilespmem:s21+$0xFFFFFFD0]  }
0x47: {  	s20 =	sshrl.u32 s20, $0x2;
	v5 =	vld [tilespmem:s21+$0xFFFFFFE0]  }
0x48: {  	v6 =	vld [tilespmem:s21+$0xFFFFFFF0];
	s23 =	sor.u32 $0x4000, s20  }
0x49: {  	s31 =	sand.u32 $0x1, s9;
	v4 =	vld [tilespmem:s21+$0x0];
	s22 =	sadd.s32 $0x0, s23  }
0x4a: {  	v3 =	vld [tilespmem:s21+$0x10];
	s20 =	smul.u32 $0x8200, s31;
	[tilespmem:s22+$0x1C70 ss:$0x41] =	vst.msk $0xffff, v0  }
0x4b: {  	v2 =	vld [tilespmem:s21+$0x20];
	[tilespmem:s22+$0x410 ss:$0x41] =	vst.msk $0xffff, v1  }
0x4c: {  	s20 =	sshrl.u32 s20, $0x2;
	v1 =	vld [tilespmem:s21+$0xFFFFFFC0];
	[tilespmem:s22+$0x820 ss:$0x41] =	vst.msk $0xffff, v5;
	s21 =	sadd.s32 $0x80, s21  }
0x4d: {  	s24 =	simm.s32 $0x4;
	s25 =	simm.s32 $0x8;
	s20 =	sor.u32 $0x4000, s20;
	[tilespmem:s22+$0xC30 ss:$0x41] =	vst.msk $0xffff, v6;
	v0 =	vld [tilespmem:s21+$0x30]  }
.LBB1_3:
0x4e: {  	p1 =	sne.s32 s25, $0xFC;
	v5 =	vld [tilespmem:s21+$0xFFFFFFD0];
	[tilespmem:s22+$0x1040 ss:$0x41] =	vst.msk $0xffff, v4  }
0x4f: {  	v6 =	vld [tilespmem:s21+$0xFFFFFFE0];
	[tilespmem:s22+$0x1450 ss:$0x41] =	vst.msk $0xffff, v3  }
0x50: {  	s26 =	sshra.s32 s24, $0x2;
	s24 =	smov.u32 s25;
	v7 =	vld [tilespmem:s21+$0xFFFFFFF0];
	[tilespmem:s22+$0x1860 ss:$0x41] =	vst.msk $0xffff, v2  }
.Ltmp3:
0x51: {  	v4 =	vld [tilespmem:s21+$0x0];
	[tilespmem:s22+$0x0 ss:$0x41] =	vst.msk $0xffff, v1;
	s22 =	sadd.s32 s26, s23;
	(pc) =	sbr.rel @p1 .LBB1_3-.Ltmp3, $4  }
0x52: {  	v3 =	vld [tilespmem:s21+$0x10];
	[tilespmem:s22+$0x1C70 ss:$0x41] =	vst.msk $0xffff, v0  }
0x53: {  	[tilespmem:s22+$0x410 ss:$0x41] =	vst.msk $0xffff, v5;
	v2 =	vld [tilespmem:s21+$0x20]  }
0x54: {  	v1 =	vld [tilespmem:s21+$0xFFFFFFC0];
	[tilespmem:s22+$0x820 ss:$0x41] =	vst.msk $0xffff, v6;
	s21 =	sadd.s32 $0x80, s21  }
0x55: {  	s25 =	sadd.s32 $0x4, s25;
	v0 =	vld [tilespmem:s21+$0x30];
	[tilespmem:s22+$0xC30 ss:$0x41] =	vst.msk $0xffff, v7  }
0x56: {  	s25 =	sshll.u32 s7, $0x7  }
0x57: {  	s26 =	sshll.u32 s8, $0x3;
	p1 =	sgt.s32 s11, $0x1F;
	s28 =	sshra.s32 s11, $0x1F  }
0x58: {  	p2 =	sgt.s32 s10, $0x7;
	s29 =	sshra.s32 s10, $0x1F;
	s31 =	sshra.s32 s8, $0x1F  }
0x59: {  	s24 =	sshra.s32 s24, $0x2;
	s27 =	sand.u32 $0xFFFFFC00, s25;
	s26 =	sand.u32 $0xFFFFFC00, s26  }
0x5a: {  	s25 =	sand.u32 $0x380, s25;
	s28 =	sand.u32 s28, s11;
	s30 =	sand.u32 s29, s10  }
0x5b: {  	s29 =	sand.u32 s31, s8;
	s26 =	sadd.s32 s26, s27;
	s27 =	smov.u32 s11  }
0x5c: {  	s23 =	sadd.s32 s24, s23;
	s27 =	simm.s32 @!p1 $0x1F;
	s25 =	sor.u32 s25, s26  }
0x5d: {  	s26 =	ssub.s32 s27, s28;
	s28 =	smov.u32 s10;
	s25 =	sshrl.u32 s25, $0x7  }
0x5e: {  	s27 =	sadd.s32 $0xFFFFFFE1, s26;
	s28 =	simm.s32 @!p2 $0x7;
	p2 =	sgt.s32 s8, $0x40  }
0x5f: {  	p1 =	sgt.s32 s27, $0x0;
	s27 =	ssub.s32 s28, s30;
	s28 =	smov.u32 s8  }
0x60: {  	s26 =	ssub.s32 $0x20, s26;
	s30 =	sadd.s32 $0xFFFFFFF9, s27;
	s28 =	simm.s32 @!p2 $0x40  }
0x61: {  	s27 =	ssub.s32 $0x8, s27;
	s26 =	simm.s32 @p1 $0x0;
	p1 =	sgt.s32 s7, $0x1E0  }
0x62: {  	v5 =	vld [tilespmem:s21+$0xFFFFFFD0];
	[tilespmem:s22+$0x1040 ss:$0x41] =	vst.msk $0xffff, v4;
	p2 =	sgt.s32 s30, $0x0;
	s28 =	ssub.s32 s28, s29;
	s29 =	smulhi.u32 $0x6BCA1B, s25  }
0x63: {  	v58 =	vld [tilespmem:s21+$0xFFFFFFE0];
	[tilespmem:s22+$0x1450 ss:$0x41] =	vst.msk $0xffff, v3;
	s30 =	sshra.s32 s7, $0x1F;
	s27 =	simm.s32 @p2 $0x0;
	s31 =	sadd.s32 $0xFFFFFFC0, s28  }
0x64: {  	v59 =	vld [tilespmem:s21+$0xFFFFFFF0];
	[tilespmem:s22+$0x1860 ss:$0x41] =	vst.msk $0xffff, v2;
	s24 =	smul.u32 s26, s27;
	s27 =	smov.u32 s7;
	p2 =	sgt.s32 s31, $0x3F  }
0x65: {  	v60 =	vld [tilespmem:s21+$0x0];
	[tilespmem:s22+$0x0 ss:$0x41] =	vst.msk $0xffff, v1;
	s31 =	sand.u32 s30, s7;
	s26 =	ssub.s32 $0x80, s28;
	s28 =	smul.u32 $0x260, s29  }
0x66: {  	v61 =	vld [tilespmem:s21+$0x10];
	[tilespmem:s23+$0x1C70 ss:$0x41] =	vst.msk $0xffff, v0;
	s30 =	smul.u32 $0x13000, s11;
	s27 =	simm.s32 @!p1 $0x1E0;
	s26 =	simm.s32 @p2 $0x0  }
0x67: {  	v62 =	vld [tilespmem:s21+$0x20];
	[tilespmem:s23+$0x410 ss:$0x41] =	vst.msk $0xffff, v5;
	s22 =	ssub.s32 s27, s31;
	s24 =	smul.u32 s26, s24;
	s25 =	ssub.s32 s25, s28  }
0x68: {  	v63 =	vld [tilespmem:s21+$0xFFFFFFC0];
	[tilespmem:s23+$0x820 ss:$0x41] =	vst.msk $0xffff, v58;
	s31 =	smul.u32 $0x2600, s10;
	s27 =	sshrl.u32 s8, $0x3;
	s29 =	sadd.s32 $0xFFFFFE20, s22  }
0x69: {  	[tilespmem:s23+$0xC30 ss:$0x41] =	vst.msk $0xffff, v59;
	s28 =	sand.u32 $0x7, s8;
	s21 =	ssub.s32 $0x260, s22;
	p1 =	sgt.s32 s29, $0x7F  }
.Ltmp4:
0x6a: {  	[tilespmem:s23+$0x1040 ss:$0x41] =	vst.msk $0xffff, v60;
	s22 =	sadd.s32 s3, s30;
	s21 =	simm.s32 @p1 $0x0;
	(pc) =	sbr.rel .LBB1_5-.Ltmp4, $4  }
0x6b: {  	[tilespmem:s23+$0x1450 ss:$0x41] =	vst.msk $0xffff, v61;
	s22 =	sadd.s32 s31, s22;
	s21 =	smul.u32 s21, s24;
	s24 =	sand.u32 $0xF, s27  }
0x6c: {  	[tilespmem:s23+$0x1860 ss:$0x41] =	vst.msk $0xffff, v62;
	s30 =	sshll.u32 s28, $0x12;
	s29 =	sshll.u32 s25, $0x4;
	s22 =	sadd.s32 s24, s22  }
0x6d: {  	[tilespmem:s23+$0x0 ss:$0x41] =	vst.msk $0xffff, v63;
	s31 =	sor.u32 $0x40, s30;
	s21 =	sand.u32 $0x3FFFFFFF, s21;
	s22 =	sadd.s32 s29, s22  }
0x6e: {  	[hbm4b:s22+s31] =	stream.strided.scatter [tilespmem:s20], [sflag:$0x2], s21, s6, s31, $0x18;
	[tilespmem:$0x8100] =	vst v63  }
.LBB1_6:
0x6f: {  	_ =	sfence.sel $0x180000  }
0x70: {  	s2 =	simm.s32 $0x1;
	[bflag:$0x0] =	sbarrier.arrive $0xFFFF  }
0x71: {  	s31 =	simm.s32 $0x2;
	[sflag:s2] =	ssyncpa.u1 $0x1  }
0x72: {  	[sflag:s31] =	ssyncpa.u1 $0x1  }
0x73: {  	p0 =	sne.s32 s1, $0x0;
	_ =	strace $0x90000053  }
0x74: {  	s0 =	sadd.s32 @!p0 $0x100000, s0;
	[bflag:$0x2] =	sbarrier.arrive $0xFFFF  }
0x75: {  	[sflag:s0] =	ssyncadd.tile.s32 @!p0 $0x1;
	_ =	shalt  }
.Lfunc_end1:
_tile_overlayer_lowered:
.L_overlay_start_2:
0x76: {  	(tag) =	ssettag $0x2  }
0x77: {  	s0 =	rddreg [dreg:$0x0];
	s2 =	stileid.u32  }
0x78: {  	s1 =	rddreg [dreg:$0x1];
	p0 =	sne.s32 s2, $0x0  }
0x79: {  	s3 =	rddreg [dreg:$0x2];
	[bflag:$0x3] =	sbarrier.arrive $0xFFFF;
	s2 =	simm.s32 @!p0 $0x1C01  }
0x7a: {  	[timem:s3], [sflag:s2] =	dma.local @!p0 [hbm:s0], s1  }
0x7b: {  	s0 =	simm.s32 @!p0 $0x1  }
0x7c: {  	_ =	swait.ge @!p0 [sflag:s0], s1  }
0x7d: {  	s1 =	ssub.s32 @!p0 $0x0, s1;
	[sflag:s0] =	ssyncset.done @!p0 $0x0  }
0x7e: {  	[sflag:s0] =	ssyncadd.s32 @!p0 s1  }
0x7f: {  	[bflag:$0x3] =	sbarrier.arrive $0xFFFF  }
0x80: {  	_ =	shalt  }

// kernel: sparse-core-data-format-call.2.cloned.1.call-start
scs
called_computation.2_lowered:
.L_overlay_start_0:
0x0: {  	s1 =	sld [smem:$0x3FD9]  }
0x1: {  	s2 =	sld [smem:$0x3FFE];
	_ =	sdelay $0x1  }
0x2: {  	s3 =	srdreg.scid  }
0x3: {  	s0 =	sand.u32 $0x1, s3  }
0x4: {  	s17 =	sshll.u32 s0, $0xA;
	s1 =	sadd.s32 s2, s1  }
0x5: {  	s1 =	sadd.s32 s1, s17  }
0x6: {  	[smem:$0x3FA4] =	sst s1  }
0x7: {  	_ = 	snop  }
0x8: {  	(tm) =	ssettm $0x1  }
0x9: {  	s18 =	sld [smem:$0x3FFB];
	_ =	sdelay $0x3  }
0xa: {  	_ =	strace s18  }
0xb: {  	s1 =	sld [smem:$0x3FFC];
	_ =	sdelay $0x3  }
0xc: {  	_ =	strace s1  }
0xd: {  	s1 =	sld [smem:$0x3FFD];
	_ =	sdelay $0x3  }
0xe: {  	_ =	strace s1  }
0xf: {  	_ =	strace $0x8FFFFFFF  }
0x10: {  	s19 =	sld [smem:$0x3FDB];
	_ =	sdelay $0x1  }
0x11: {  	s20 =	simm.s32 $_scs_section_size  }
0x12: {  	s4 =	simm.s32 $_size__tile_overlayer_lowered;
	s5 =	simm.s32 $_tile_overlayer_lowered  }
0x13: {  	s23 =	simm.s32 $0x1BFF;
	s22 =	sshll.u32 s5, $0x1;
	s1 =	sadd.s32 s20, s19  }
0x14: {  	s6 =	simm.s32 $0x0;
	s21 =	sshll.u32 s4, $0x1;
	s4 =	sadd.s32 s22, s1  }
0x15: {  	[timem:s6], [sflag:s23] =	dma.local [hbm:s4], s21  }
0x16: {  	_ =	swait.ge [sflag:s23], s21  }
0x17: {  	s2 =	ssub.s32 $0x0, s21;
	[sflag:s23] =	ssyncset.done $0x0  }
0x18: {  	[sflag:s23] =	ssyncadd.s32 s2;
	_ =	sdelay $0x1  }
0x19: {  	s24 =	simm.s32 $0x1B8B  }
0x1a: {  	_ =	swait.ge [sflag:s24], $0x1  }
0x1b: {  	[sflag:s24] =	ssyncset.done $0x0  }
0x1c: {  	s26 =	simm.s32 $0x1B8E;
	s25 =	sld [smem:$0x3FFE];
	[sflag:s24] =	ssyncadd.s32 $0xFFFFFFFF  }
0x1d: {  	s27 =	simm.s32 $execute0_lowered;
	[smem:$0x3FD2] =	sst s26  }
0x1e: {  	s4 =	sshll.u32 s27, $0x1;
	_ =	strace $0x8000004F;
	[dreg:$0x1] =	wrdreg $0xFFFFFFFF  }
0x1f: {  	s28 =	simm.s32 $_size_execute0_lowered;
	s1 =	sadd.s32 s1, s4;
	[dreg:$0x0] =	wrdreg $0x0  }
0x20: {  	s4 =	sshll.u32 s28, $0x1;
	[dreg:$0x2] =	wrdreg s1  }
0x21: {  	[dreg:$0x3] =	wrdreg s4  }
0x22: {  	[dreg:$0x4] =	wrdreg $0xC0  }
0x23: {  	_ =	task [dreg:s6], $0x5FFFF  }
0x24: {  	[dreg:$0x1] =	wrdreg $0xFFFFFFFF  }
0x25: {  	[dreg:$0x0] =	wrdreg $0x60  }
0x26: {  	[dreg:$0x2] =	wrdreg s25  }
0x27: {  	[dreg:$0x3] =	wrdreg $0xA  }
0x28: {  	_ =	task.clear_ibuf [dreg:s6], $0x4FFFF;
	_ =	strace $0x9000004F  }
0x29: {  	s29 =	simm.s32 $0xA;
	_ =	strace $0x80000051  }
0x2a: {  	_ =	swait.ge [sflag:s29], $0x1  }
0x2b: {  	[sflag:s29] =	ssyncadd.s32 $0xFFFFFFFF  }
0x2c: {  	_ =	strace $0x90000051  }
0x2d: {  	_ =	sfence  }
0x2e: {  	s30 =	sld [smem:$0x0];
	_ =	sdelay $0x2  }
0x2f: {  	s31 =	sshll.u32 s3, $0xD;
	s3 =	sshrl.u32 s3, $0x2  }
0x30: {  	s2 =	sand.u32 $0x4000, s31;
	s1 =	sadd.s32 s3, s30  }
0x31: {  	s0 =	sor.u32 s2, s0;
	s1 =	sshll.u32 s1, $0x11  }
0x32: {  	s0 =	sor.u32 s1, s0  }
0x33: {  	s0 =	sadd.s32 $0x8F2B, s0  }
0x34: {  	[sflag:s0] =	ssyncadd.remote.s32 $0x1  }
0x35: {  	_ =	sfence.sel $0xFFFF  }
0x36: {  	[dreg:$0x0] =	wrdreg $0xFFFFFFFF;
	(pc) =	sbr.abs _section_cstart, $3  }
0x37: {  	[dreg:$0x1] =	wrdreg $0xFFFFFFFF  }
0x38: {  	_ =	task.clear_ibuf [dreg:s6], $0x2FFFF;
	_ =	strace $0x9FFFFFFF  }
0x39: {  	(tm) =	ssettm $0x7FFFFFFF  }
tec
execute0_lowered:
.L_overlay_start_1:
0x0: {  	(tag) =	ssettag $0x1  }
0x1: {  	s1 =	rddreg [dreg:$0x0]  }
0x2: {  	s0 =	rddreg [dreg:$0x1];
	_ =	strace $0x80000050  }
0x3: {  	s4 =	srdreg.scid;
	s6 =	simm.s32 $0x2;
	s17 =	simm.s32 $0x0  }
0x4: {  	p0 =	por $0x0, $0x0;
	s16 =	simm.s32 $0x0;
	s18 =	simm.s32 $0x0  }
0x5: {  	s19 =	simm.s32 $0x0;
	s7 =	simm.s32 $0x0;
	s8 =	simm.s32 $0x0  }
0x6: {  	s10 =	simm.s32 $0x0;
	s11 =	simm.s32 $0x0;
	s12 =	simm.s32 $0x0  }
.Ltmp0:
0x7: {  	s13 =	simm.s32 $0x0;
	s14 =	simm.s32 $0x0;
	(pc) =	sbr.rel .LBB1_1-.Ltmp0, $4  }
0x8: {  	s2 =	sadd.s32 $0x393400, s1;
	s3 =	sadd.s32 $0x4D3400, s1;
	s4 =	sshll.u32 s4, $0x4  }
0x9: {  	s1 =	stileid.u32;
	s5 =	sand.u32 $0x10, s4;
	s4 =	simm.s32 $0x1  }
0xa: {  	s9 =	simm.s32 $0x0;
	s5 =	sor.u32 s1, s5;
	[sflag:s4] =	ssyncpa.u1 $0x0  }
0xb: {  	[sflag:s6] =	ssyncpa.u1 $0x0;
	s6 =	simm.s32 $0x80;
	s15 =	smov.u32 s5  }
.LBB1_5:
0xc: {  	p1 =	slt.u32 s9, $0x2;
	s20 =	smov.u32 s19  }
0xd: {  	s23 =	smov.u32 s15;
	s9 =	sadd.s32 $0x1, s9;
	p2 =	sgt.s32 @!p1 s19, $0x1F  }
0xe: {  	p0 =	por !p0, !p0;
	s21 =	sshra.s32 @!p1 s19, $0x1F;
	p2 =	por !p2, p1  }
0xf: {  	s22 =	sshra.s32 @!p1 s18, $0x1F;
	s19 =	sand.u32 @!p1 s21, s19;
	s20 =	simm.s32 @p2 $0x1F  }
0x10: {  	s21 =	smov.u32 s18;
	p2 =	sgt.s32 @!p1 s18, $0x7;
	s19 =	ssub.s32 @!p1 s20, s19  }
0x11: {  	s18 =	sand.u32 @!p1 s22, s18;
	p2 =	por !p2, p1;
	s20 =	sadd.s32 @!p1 $0xFFFFFFE1, s19  }
0x12: {  	s21 =	simm.s32 @p2 $0x7;
	s19 =	ssub.s32 @!p1 $0x20, s19;
	p3 =	sgt.s32 @!p1 s20, $0x0  }
0x13: {  	s18 =	ssub.s32 @!p1 s21, s18;
	s21 =	sshra.s32 @!p1 s17, $0x1F;
	p2 =	por !p3, p1  }
0x14: {  	s20 =	sadd.s32 @!p1 $0xFFFFFFF9, s18;
	s18 =	ssub.s32 @!p1 $0x8, s18;
	p3 =	sgt.s32 @!p1 s17, $0x1E0  }
0x15: {  	s19 =	simm.s32 @!p2 $0x0;
	p2 =	sgt.s32 @!p1 s20, $0x0;
	p3 =	por !p3, p1  }
0x16: {  	s20 =	smov.u32 s17;
	s17 =	sand.u32 @!p1 s21, s17;
	s21 =	sshra.s32 @!p1 s16, $0x1F  }
0x17: {  	p2 =	por !p2, p1;
	s20 =	simm.s32 @p3 $0x1E0;
	p3 =	sgt.s32 @!p1 s16, $0x40  }
0x18: {  	s17 =	ssub.s32 @!p1 s20, s17;
	p3 =	por !p3, p1;
	s20 =	smov.u32 s16  }
0x19: {  	s18 =	simm.s32 @!p2 $0x0;
	s16 =	sand.u32 @!p1 s21, s16;
	s20 =	simm.s32 @p3 $0x40  }
0x1a: {  	s18 =	smul.u32 @!p1 s19, s18;
	s19 =	sadd.s32 @!p1 $0xFFFFFE20, s17;
	s16 =	ssub.s32 @!p1 s20, s16  }
0x1b: {  	s21 =	smov.u32 s13;
	p2 =	sgt.s32 @!p1 s19, $0x7F;
	s19 =	sadd.s32 @!p1 $0xFFFFFFC0, s16  }
0x1c: {  	s20 =	sadd.s32 $0x80, s12;
	s16 =	ssub.s32 @!p1 $0x80, s16;
	p3 =	sgt.s32 @!p1 s19, $0x3F  }
0x1d: {  	p4 =	sgt.s32 s20, $0x25F;
	s19 =	sadd.s32 $0x40, s13;
	p3 =	por !p3, p1  }
0x1e: {  	s24 =	simm.s32 @!p1 $0x2;
	s21 =	smov.u32 @p4 s19;
	s16 =	simm.s32 @!p3 $0x0  }
0x1f: {  	p3 =	sgt.s32 s21, $0x3F;
	s16 =	smul.u32 @!p1 s16, s18;
	s18 =	simm.s32 $0x1  }
0x20: {  	s17 =	ssub.s32 @!p1 $0x260, s17;
	p2 =	por !p2, p1;
	s18 =	simm.s32 @!p3 $0x0  }
0x21: {  	s17 =	simm.s32 @!p2 $0x0;
	s20 =	simm.s32 @p4 $0x0;
	s22 =	sadd.s32 s18, s14  }
0x22: {  	s16 =	smul.u32 @!p1 s17, s16;
	s17 =	sadd.s32 $0x20, s15;
	p2 =	sgt.s32 s22, $0x7  }
0x23: {  	s19 =	smov.u32 s11;
	s11 =	smov.u32 s15;
	s23 =	smov.u32 @p2 s17  }
0x24: {  	s21 =	simm.s32 @p3 $0x0;
	s22 =	simm.s32 @p2 $0x0;
	p2 =	sgt.s32 s23, $0x1F  }
0x25: {  	s18 =	smov.u32 s10;
	s23 =	smov.u32 @p2 s5;
	p2 =	sne.s32 s9, $0x2A  }
.Ltmp1:
0x26: {  	s10 =	smov.u32 s14;
	s16 =	sand.u32 @!p1 $0x3FFFFFFF, s16;
	(pc) =	sbr.rel @!p2 .LBB1_6-.Ltmp1, $4  }
0x27: {  	s17 =	smov.u32 s7;
	s7 =	smov.u32 s12;
	s12 =	smov.u32 s20  }
0x28: {  	_ =	swait.ge @!p1 [sflag:s24], s16;
	s25 =	ssub.s32 @!p1 $0x0, s16;
	s16 =	smov.u32 s8  }
0x29: {  	s8 =	smov.u32 s13;
	s13 =	smov.u32 s21;
	[sflag:s24] =	ssyncset.done @!p1 $0x0  }
0x2a: {  	s14 =	smov.u32 s22;
	[sflag:s24] =	ssyncadd.s32 @!p1 s25;
	s15 =	smov.u32 s23  }
.LBB1_1:
0x2b: {  	p1 =	sgt.u32 s9, $0x27  }
0x2c: {  	s20 =	sshrl.u32 @!p1 s13, $0x3  }
0x2d: {  	s21 =	sshll.u32 @!p1 s12, $0x3;
	s20 =	smul.u32 @!p1 $0x1400, s20  }
0x2e: {  	s22 =	sshll.u32 @!p1 s13, $0x7;
	s21 =	sand.u32 @!p1 $0xFFFFFC00, s21  }
0x2f: {  	s20 =	sadd.s32 @!p1 s20, s21;
	s21 =	sand.u32 @!p1 $0x380, s22  }
0x30: {  	s22 =	sand.u32 @!p1 $0x7F, s12;
	s20 =	sor.u32 @!p1 s21, s20  }
0x31: {  	s21 =	sor.u32 @!p1 s22, s20  }
0x32: {  	s22 =	smulhi.u32 @!p1 $0xCCCCCCCD, s21  }
0x33: {  	s20 =	smulhi.u32 @!p1 $0xCCCCCCCD, s20  }
0x34: {  	s24 =	smul.u32 @!p1 $0xA000, s15;
	s22 =	sshrl.u32 @!p1 s22, $0x9  }
0x35: {  	s23 =	sxor.u32 @!p1 $0xFFFFFFFF, s9;
	s20 =	sshrl.u32 @!p1 s20, $0x9;
	s22 =	smul.u32 @!p1 $0x280, s22  }
0x36: {  	s25 =	smul.u32 @!p1 $0x1400, s14;
	s23 =	sshll.u32 @!p1 s23, $0xD;
	s20 =	sand.u32 @!p1 $0x3F, s20  }
0x37: {  	s20 =	smul.u32 @!p1 $0x50, s20;
	s21 =	ssub.s32 @!p1 s21, s22;
	s22 =	sadd.s32 @!p1 s2, s24  }
0x38: {  	s23 =	sand.u32 @!p1 $0x2000, s23;
	s22 =	sadd.s32 @!p1 s25, s22;
	s24 =	sand.u32 @!p1 $0x7, s21  }
0x39: {  	s21 =	sshrl.u32 @!p1 s21, $0x3;
	s20 =	sadd.s32 @!p1 s20, s22;
	s22 =	sshll.u32 @!p1 s24, $0x12  }
0x3a: {  	s20 =	sadd.s32 @!p1 s21, s20;
	s21 =	sor.u32 @!p1 $0x400, s22;
	s22 =	simm.s32 @!p1 $0x1400  }
0x3b: {  	[tilespmem:s23], [sflag:$0x1] =	stream.strided.gather @!p1 [hbm4b:s20+s21], $0x2000, s22, s21, $0x38;
	[tilespmem:$0x8100] =	vst v63  }
0x3c: {  	p1 =	seq.s32 s9, $0x0  }
0x3d: {  	p2 =	seq.s32 @!p1 s9, $0x29  }
0x3e: {  	p1 =	por p1, p2  }
.Ltmp2:
0x3f: {  	_ = 	snop;
	(pc) =	sbr.rel @p1 .LBB1_5-.Ltmp2, $1  }
0x40: {  	_ =	sdelay $0x3  }
0x41: {  	s20 =	simm.s32 $0x1  }
0x42: {  	_ =	swait.ge [sflag:s4], $0x2000;
	s20 =	simm.s32 @!p0 $0x0  }
0x43: {  	[sflag:s4] =	ssyncset.done $0x0;
	s21 =	sshll.u32 s20, $0xD  }
0x44: {  	[sflag:s4] =	ssyncadd.s32 $0xFFFFE000;
	s21 =	sor.u32 $0x40, s21  }
0x45: {  	s20 =	smul.u32 $0x8200, s20;
	v0 =	vld [tilespmem:s21+$0x30]  }
0x46: {  	v1 =	vld [tilespmem:s21+$0xFFFFFFD0]  }
0x47: {  	s20 =	sshrl.u32 s20, $0x2;
	v5 =	vld [tilespmem:s21+$0xFFFFFFE0]  }
0x48: {  	v6 =	vld [tilespmem:s21+$0xFFFFFFF0];
	s23 =	sor.u32 $0x4000, s20  }
0x49: {  	s31 =	sand.u32 $0x1, s9;
	v4 =	vld [tilespmem:s21+$0x0];
	s22 =	sadd.s32 $0x0, s23  }
0x4a: {  	v3 =	vld [tilespmem:s21+$0x10];
	s20 =	smul.u32 $0x8200, s31;
	[tilespmem:s22+$0x1C70 ss:$0x41] =	vst.msk $0xffff, v0  }
0x4b: {  	v2 =	vld [tilespmem:s21+$0x20];
	[tilespmem:s22+$0x410 ss:$0x41] =	vst.msk $0xffff, v1  }
0x4c: {  	s20 =	sshrl.u32 s20, $0x2;
	v1 =	vld [tilespmem:s21+$0xFFFFFFC0];
	[tilespmem:s22+$0x820 ss:$0x41] =	vst.msk $0xffff, v5;
	s21 =	sadd.s32 $0x80, s21  }
0x4d: {  	s24 =	simm.s32 $0x4;
	s25 =	simm.s32 $0x8;
	s20 =	sor.u32 $0x4000, s20;
	[tilespmem:s22+$0xC30 ss:$0x41] =	vst.msk $0xffff, v6;
	v0 =	vld [tilespmem:s21+$0x30]  }
.LBB1_3:
0x4e: {  	p1 =	sne.s32 s25, $0xFC;
	v5 =	vld [tilespmem:s21+$0xFFFFFFD0];
	[tilespmem:s22+$0x1040 ss:$0x41] =	vst.msk $0xffff, v4  }
0x4f: {  	v6 =	vld [tilespmem:s21+$0xFFFFFFE0];
	[tilespmem:s22+$0x1450 ss:$0x41] =	vst.msk $0xffff, v3  }
0x50: {  	s26 =	sshra.s32 s24, $0x2;
	s24 =	smov.u32 s25;
	v7 =	vld [tilespmem:s21+$0xFFFFFFF0];
	[tilespmem:s22+$0x1860 ss:$0x41] =	vst.msk $0xffff, v2  }
.Ltmp3:
0x51: {  	v4 =	vld [tilespmem:s21+$0x0];
	[tilespmem:s22+$0x0 ss:$0x41] =	vst.msk $0xffff, v1;
	s22 =	sadd.s32 s26, s23;
	(pc) =	sbr.rel @p1 .LBB1_3-.Ltmp3, $4  }
0x52: {  	v3 =	vld [tilespmem:s21+$0x10];
	[tilespmem:s22+$0x1C70 ss:$0x41] =	vst.msk $0xffff, v0  }
0x53: {  	[tilespmem:s22+$0x410 ss:$0x41] =	vst.msk $0xffff, v5;
	v2 =	vld [tilespmem:s21+$0x20]  }
0x54: {  	v1 =	vld [tilespmem:s21+$0xFFFFFFC0];
	[tilespmem:s22+$0x820 ss:$0x41] =	vst.msk $0xffff, v6;
	s21 =	sadd.s32 $0x80, s21  }
0x55: {  	s25 =	sadd.s32 $0x4, s25;
	v0 =	vld [tilespmem:s21+$0x30];
	[tilespmem:s22+$0xC30 ss:$0x41] =	vst.msk $0xffff, v7  }
0x56: {  	s25 =	sshll.u32 s7, $0x7  }
0x57: {  	s26 =	sshll.u32 s8, $0x3;
	p1 =	sgt.s32 s11, $0x1F;
	s28 =	sshra.s32 s11, $0x1F  }
0x58: {  	p2 =	sgt.s32 s10, $0x7;
	s29 =	sshra.s32 s10, $0x1F;
	s31 =	sshra.s32 s8, $0x1F  }
0x59: {  	s24 =	sshra.s32 s24, $0x2;
	s27 =	sand.u32 $0xFFFFFC00, s25;
	s26 =	sand.u32 $0xFFFFFC00, s26  }
0x5a: {  	s25 =	sand.u32 $0x380, s25;
	s28 =	sand.u32 s28, s11;
	s30 =	sand.u32 s29, s10  }
0x5b: {  	s29 =	sand.u32 s31, s8;
	s26 =	sadd.s32 s26, s27;
	s27 =	smov.u32 s11  }
0x5c: {  	s23 =	sadd.s32 s24, s23;
	s27 =	simm.s32 @!p1 $0x1F;
	s25 =	sor.u32 s25, s26  }
0x5d: {  	s26 =	ssub.s32 s27, s28;
	s28 =	smov.u32 s10;
	s25 =	sshrl.u32 s25, $0x7  }
0x5e: {  	s27 =	sadd.s32 $0xFFFFFFE1, s26;
	s28 =	simm.s32 @!p2 $0x7;
	p2 =	sgt.s32 s8, $0x40  }
0x5f: {  	p1 =	sgt.s32 s27, $0x0;
	s27 =	ssub.s32 s28, s30;
	s28 =	smov.u32 s8  }
0x60: {  	s26 =	ssub.s32 $0x20, s26;
	s30 =	sadd.s32 $0xFFFFFFF9, s27;
	s28 =	simm.s32 @!p2 $0x40  }
0x61: {  	s27 =	ssub.s32 $0x8, s27;
	s26 =	simm.s32 @p1 $0x0;
	p1 =	sgt.s32 s7, $0x1E0  }
0x62: {  	v5 =	vld [tilespmem:s21+$0xFFFFFFD0];
	[tilespmem:s22+$0x1040 ss:$0x41] =	vst.msk $0xffff, v4;
	p2 =	sgt.s32 s30, $0x0;
	s28 =	ssub.s32 s28, s29;
	s29 =	smulhi.u32 $0x6BCA1B, s25  }
0x63: {  	v58 =	vld [tilespmem:s21+$0xFFFFFFE0];
	[tilespmem:s22+$0x1450 ss:$0x41] =	vst.msk $0xffff, v3;
	s30 =	sshra.s32 s7, $0x1F;
	s27 =	simm.s32 @p2 $0x0;
	s31 =	sadd.s32 $0xFFFFFFC0, s28  }
0x64: {  	v59 =	vld [tilespmem:s21+$0xFFFFFFF0];
	[tilespmem:s22+$0x1860 ss:$0x41] =	vst.msk $0xffff, v2;
	s24 =	smul.u32 s26, s27;
	s27 =	smov.u32 s7;
	p2 =	sgt.s32 s31, $0x3F  }
0x65: {  	v60 =	vld [tilespmem:s21+$0x0];
	[tilespmem:s22+$0x0 ss:$0x41] =	vst.msk $0xffff, v1;
	s31 =	sand.u32 s30, s7;
	s26 =	ssub.s32 $0x80, s28;
	s28 =	smul.u32 $0x260, s29  }
0x66: {  	v61 =	vld [tilespmem:s21+$0x10];
	[tilespmem:s23+$0x1C70 ss:$0x41] =	vst.msk $0xffff, v0;
	s30 =	smul.u32 $0x13000, s11;
	s27 =	simm.s32 @!p1 $0x1E0;
	s26 =	simm.s32 @p2 $0x0  }
0x67: {  	v62 =	vld [tilespmem:s21+$0x20];
	[tilespmem:s23+$0x410 ss:$0x41] =	vst.msk $0xffff, v5;
	s22 =	ssub.s32 s27, s31;
	s24 =	smul.u32 s26, s24;
	s25 =	ssub.s32 s25, s28  }
0x68: {  	v63 =	vld [tilespmem:s21+$0xFFFFFFC0];
	[tilespmem:s23+$0x820 ss:$0x41] =	vst.msk $0xffff, v58;
	s31 =	smul.u32 $0x2600, s10;
	s27 =	sshrl.u32 s8, $0x3;
	s29 =	sadd.s32 $0xFFFFFE20, s22  }
0x69: {  	[tilespmem:s23+$0xC30 ss:$0x41] =	vst.msk $0xffff, v59;
	s28 =	sand.u32 $0x7, s8;
	s21 =	ssub.s32 $0x260, s22;
	p1 =	sgt.s32 s29, $0x7F  }
.Ltmp4:
0x6a: {  	[tilespmem:s23+$0x1040 ss:$0x41] =	vst.msk $0xffff, v60;
	s22 =	sadd.s32 s3, s30;
	s21 =	simm.s32 @p1 $0x0;
	(pc) =	sbr.rel .LBB1_5-.Ltmp4, $4  }
0x6b: {  	[tilespmem:s23+$0x1450 ss:$0x41] =	vst.msk $0xffff, v61;
	s22 =	sadd.s32 s31, s22;
	s21 =	smul.u32 s21, s24;
	s24 =	sand.u32 $0xF, s27  }
0x6c: {  	[tilespmem:s23+$0x1860 ss:$0x41] =	vst.msk $0xffff, v62;
	s30 =	sshll.u32 s28, $0x12;
	s29 =	sshll.u32 s25, $0x4;
	s22 =	sadd.s32 s24, s22  }
0x6d: {  	[tilespmem:s23+$0x0 ss:$0x41] =	vst.msk $0xffff, v63;
	s31 =	sor.u32 $0x40, s30;
	s21 =	sand.u32 $0x3FFFFFFF, s21;
	s22 =	sadd.s32 s29, s22  }
0x6e: {  	[hbm4b:s22+s31] =	stream.strided.scatter [tilespmem:s20], [sflag:$0x2], s21, s6, s31, $0x18;
	[tilespmem:$0x8100] =	vst v63  }
.LBB1_6:
0x6f: {  	_ =	sfence.sel $0x180000  }
0x70: {  	s2 =	simm.s32 $0x1;
	[bflag:$0x0] =	sbarrier.arrive $0xFFFF  }
0x71: {  	s31 =	simm.s32 $0x2;
	[sflag:s2] =	ssyncpa.u1 $0x1  }
0x72: {  	[sflag:s31] =	ssyncpa.u1 $0x1  }
0x73: {  	p0 =	sne.s32 s1, $0x0;
	_ =	strace $0x90000050  }
0x74: {  	s0 =	sadd.s32 @!p0 $0x100000, s0;
	[bflag:$0x2] =	sbarrier.arrive $0xFFFF  }
0x75: {  	[sflag:s0] =	ssyncadd.tile.s32 @!p0 $0x1;
	_ =	shalt  }
.Lfunc_end1:
_tile_overlayer_lowered:
.L_overlay_start_2:
0x76: {  	(tag) =	ssettag $0x2  }
0x77: {  	s0 =	rddreg [dreg:$0x0];
	s2 =	stileid.u32  }
0x78: {  	s1 =	rddreg [dreg:$0x1];
	p0 =	sne.s32 s2, $0x0  }
0x79: {  	s3 =	rddreg [dreg:$0x2];
	[bflag:$0x3] =	sbarrier.arrive $0xFFFF;
	s2 =	simm.s32 @!p0 $0x1C01  }
0x7a: {  	[timem:s3], [sflag:s2] =	dma.local @!p0 [hbm:s0], s1  }
0x7b: {  	s0 =	simm.s32 @!p0 $0x1  }
0x7c: {  	_ =	swait.ge @!p0 [sflag:s0], s1  }
0x7d: {  	s1 =	ssub.s32 @!p0 $0x0, s1;
	[sflag:s0] =	ssyncset.done @!p0 $0x0  }
0x7e: {  	[sflag:s0] =	ssyncadd.s32 @!p0 s1  }
0x7f: {  	[bflag:$0x3] =	sbarrier.arrive $0xFFFF  }
0x80: {  	_ =	shalt  }

// kernel: sparse-core-data-format-call.3.cloned.1.call-start
scs
called_computation.3_lowered:
.L_overlay_start_0:
0x0: {  	s1 =	sld [smem:$0x3FD9]  }
0x1: {  	s2 =	sld [smem:$0x3FFE];
	_ =	sdelay $0x1  }
0x2: {  	s3 =	srdreg.scid  }
0x3: {  	s0 =	sand.u32 $0x1, s3  }
0x4: {  	s17 =	sshll.u32 s0, $0xA;
	s1 =	sadd.s32 s2, s1  }
0x5: {  	s1 =	sadd.s32 s1, s17  }
0x6: {  	[smem:$0x3FA4] =	sst s1  }
0x7: {  	_ = 	snop  }
0x8: {  	(tm) =	ssettm $0x1  }
0x9: {  	s18 =	sld [smem:$0x3FFB];
	_ =	sdelay $0x3  }
0xa: {  	_ =	strace s18  }
0xb: {  	s1 =	sld [smem:$0x3FFC];
	_ =	sdelay $0x3  }
0xc: {  	_ =	strace s1  }
0xd: {  	s1 =	sld [smem:$0x3FFD];
	_ =	sdelay $0x3  }
0xe: {  	_ =	strace s1  }
0xf: {  	_ =	strace $0x8FFFFFFF  }
0x10: {  	s19 =	sld [smem:$0x3FDB];
	_ =	sdelay $0x1  }
0x11: {  	s20 =	simm.s32 $_scs_section_size  }
0x12: {  	s4 =	simm.s32 $_size__tile_overlayer_lowered;
	s5 =	simm.s32 $_tile_overlayer_lowered  }
0x13: {  	s23 =	simm.s32 $0x1BFF;
	s22 =	sshll.u32 s5, $0x1;
	s1 =	sadd.s32 s20, s19  }
0x14: {  	s6 =	simm.s32 $0x0;
	s21 =	sshll.u32 s4, $0x1;
	s4 =	sadd.s32 s22, s1  }
0x15: {  	[timem:s6], [sflag:s23] =	dma.local [hbm:s4], s21  }
0x16: {  	_ =	swait.ge [sflag:s23], s21  }
0x17: {  	s2 =	ssub.s32 $0x0, s21;
	[sflag:s23] =	ssyncset.done $0x0  }
0x18: {  	[sflag:s23] =	ssyncadd.s32 s2;
	_ =	sdelay $0x1  }
0x19: {  	s24 =	simm.s32 $0x1B8B  }
0x1a: {  	_ =	swait.ge [sflag:s24], $0x1  }
0x1b: {  	[sflag:s24] =	ssyncset.done $0x0  }
0x1c: {  	s26 =	simm.s32 $0x1B8E;
	s25 =	sld [smem:$0x3FFE];
	[sflag:s24] =	ssyncadd.s32 $0xFFFFFFFF  }
0x1d: {  	s27 =	simm.s32 $execute0_lowered;
	[smem:$0x3FD2] =	sst s26  }
0x1e: {  	s4 =	sshll.u32 s27, $0x1;
	_ =	strace $0x8000004C;
	[dreg:$0x1] =	wrdreg $0xFFFFFFFF  }
0x1f: {  	s28 =	simm.s32 $_size_execute0_lowered;
	s1 =	sadd.s32 s1, s4;
	[dreg:$0x0] =	wrdreg $0x0  }
0x20: {  	s4 =	sshll.u32 s28, $0x1;
	[dreg:$0x2] =	wrdreg s1  }
0x21: {  	[dreg:$0x3] =	wrdreg s4  }
0x22: {  	[dreg:$0x4] =	wrdreg $0xC0  }
0x23: {  	_ =	task [dreg:s6], $0x5FFFF  }
0x24: {  	[dreg:$0x1] =	wrdreg $0xFFFFFFFF  }
0x25: {  	[dreg:$0x0] =	wrdreg $0x60  }
0x26: {  	[dreg:$0x2] =	wrdreg s25  }
0x27: {  	[dreg:$0x3] =	wrdreg $0x9  }
0x28: {  	_ =	task.clear_ibuf [dreg:s6], $0x4FFFF;
	_ =	strace $0x9000004C  }
0x29: {  	s29 =	simm.s32 $0x9;
	_ =	strace $0x8000004E  }
0x2a: {  	_ =	swait.ge [sflag:s29], $0x1  }
0x2b: {  	[sflag:s29] =	ssyncadd.s32 $0xFFFFFFFF  }
0x2c: {  	_ =	strace $0x9000004E  }
0x2d: {  	_ =	sfence  }
0x2e: {  	s30 =	sld [smem:$0x0];
	_ =	sdelay $0x2  }
0x2f: {  	s31 =	sshll.u32 s3, $0xD;
	s3 =	sshrl.u32 s3, $0x2  }
0x30: {  	s2 =	sand.u32 $0x4000, s31;
	s1 =	sadd.s32 s3, s30  }
0x31: {  	s0 =	sor.u32 s2, s0;
	s1 =	sshll.u32 s1, $0x11  }
0x32: {  	s0 =	sor.u32 s1, s0  }
0x33: {  	s0 =	sadd.s32 $0x8F2B, s0  }
0x34: {  	[sflag:s0] =	ssyncadd.remote.s32 $0x1  }
0x35: {  	_ =	sfence.sel $0xFFFF  }
0x36: {  	[dreg:$0x0] =	wrdreg $0xFFFFFFFF;
	(pc) =	sbr.abs _section_cstart, $3  }
0x37: {  	[dreg:$0x1] =	wrdreg $0xFFFFFFFF  }
0x38: {  	_ =	task.clear_ibuf [dreg:s6], $0x2FFFF;
	_ =	strace $0x9FFFFFFF  }
0x39: {  	(tm) =	ssettm $0x7FFFFFFF  }
tec
execute0_lowered:
.L_overlay_start_1:
0x0: {  	(tag) =	ssettag $0x1  }
0x1: {  	s1 =	rddreg [dreg:$0x0]  }
0x2: {  	s0 =	rddreg [dreg:$0x1];
	_ =	strace $0x8000004D  }
0x3: {  	s4 =	srdreg.scid;
	s6 =	simm.s32 $0x2;
	s13 =	simm.s32 $0x0  }
0x4: {  	p0 =	por $0x0, $0x0;
	s11 =	simm.s32 $0x0;
	s12 =	simm.s32 $0x0  }
.Ltmp0:
0x5: {  	s8 =	simm.s32 $0x0;
	s9 =	simm.s32 $0x0;
	(pc) =	sbr.rel .LBB1_1-.Ltmp0, $4  }
0x6: {  	s2 =	sadd.s32 $0x11F3400, s1;
	s3 =	sadd.s32 $0x133400, s1;
	s4 =	sshll.u32 s4, $0x4  }
0x7: {  	s1 =	stileid.u32;
	s5 =	sand.u32 $0x10, s4;
	s4 =	simm.s32 $0x1  }
0x8: {  	s7 =	simm.s32 $0x0;
	s5 =	sor.u32 s1, s5;
	[sflag:s4] =	ssyncpa.u1 $0x0  }
0x9: {  	[sflag:s6] =	ssyncpa.u1 $0x0;
	s6 =	simm.s32 $0x1400;
	s10 =	smov.u32 s5  }
.LBB1_5:
0xa: {  	s14 =	sadd.s32 $0x80, s8  }
0xb: {  	s11 =	simm.s32 $0x1;
	p2 =	sgt.s32 s14, $0x25F  }
0xc: {  	s11 =	simm.s32 @!p2 $0x0  }
0xd: {  	s15 =	sadd.s32 s11, s9  }
0xe: {  	s17 =	smov.u32 s10;
	s11 =	sadd.s32 $0x20, s10;
	p3 =	sgt.s32 s15, $0x7  }
0xf: {  	p1 =	slt.u32 s7, $0x2;
	s17 =	smov.u32 @p3 s11  }
0x10: {  	s7 =	sadd.s32 $0x1, s7;
	s14 =	simm.s32 @p2 $0x0;
	p2 =	sgt.s32 s17, $0x1F  }
0x11: {  	s17 =	smov.u32 @p2 s5;
	p2 =	sne.s32 s7, $0x2A  }
.Ltmp1:
0x12: {  	s16 =	simm.s32 @!p1 $0x2;
	(pc) =	sbr.rel @!p2 .LBB1_6-.Ltmp1, $4  }
0x13: {  	s13 =	smov.u32 s8;
	_ =	swait.ge @!p1 [sflag:s16], $0x2000  }
0x14: {  	s12 =	smov.u32 s10;
	p0 =	por !p0, !p0;
	[sflag:s16] =	ssyncset.done @!p1 $0x0  }
0x15: {  	s8 =	smov.u32 s14;
	[sflag:s16] =	ssyncadd.s32 @!p1 $0xFFFFE000;
	s15 =	simm.s32 @p3 $0x0  }
0x16: {  	s11 =	smov.u32 s9;
	s9 =	smov.u32 s15;
	s10 =	smov.u32 s17  }
.LBB1_1:
0x17: {  	p1 =	sgt.u32 s7, $0x27  }
0x18: {  	s15 =	smov.u32 s10;
	s18 =	smov.u32 s9;
	p2 =	sgt.s32 @!p1 s10, $0x1F  }
0x19: {  	s14 =	sand.u32 @!p1 $0x1FFFFFF, s8;
	s17 =	sshra.s32 @!p1 s10, $0x1F;
	p2 =	por !p2, p1  }
0x1a: {  	s19 =	sshra.s32 @!p1 s9, $0x1F;
	s15 =	simm.s32 @p2 $0x1F;
	p2 =	sgt.s32 @!p1 s9, $0x7  }
0x1b: {  	s16 =	smulhi.u32 @!p1 $0x6BCA1B, s14;
	s17 =	sand.u32 @!p1 s17, s10;
	p2 =	por !p2, p1  }
0x1c: {  	s19 =	sand.u32 @!p1 s19, s9;
	s15 =	ssub.s32 @!p1 s15, s17;
	s18 =	simm.s32 @p2 $0x7  }
0x1d: {  	p2 =	sgt.s32 @!p1 s8, $0x1E0;
	s15 =	sadd.s32 @!p1 $0xFFFFFFE1, s15;
	s17 =	ssub.s32 @!p1 s18, s19  }
0x1e: {  	p2 =	por !p2, p1;
	s19 =	smov.u32 s8;
	s18 =	sadd.s32 @!p1 $0xFFFFFFF9, s17  }
0x1f: {  	s19 =	simm.s32 @p2 $0x1E0;
	p3 =	sgt.s32 @!p1 s18, $0x0;
	s18 =	sshra.s32 @!p1 s8, $0x1F  }
0x20: {  	p2 =	sgt.s32 @!p1 s15, $0x0;
	s15 =	sshll.u32 @!p1 s15, $0x6;
	s18 =	sand.u32 @!p1 s18, s8  }
0x21: {  	s17 =	ssub.s32 @!p1 $0x8, s17;
	s15 =	ssub.s32 @!p1 $0x40, s15;
	s18 =	ssub.s32 @!p1 s19, s18  }
0x22: {  	p2 =	por !p2, p1;
	p3 =	por !p3, p1;
	s19 =	sadd.s32 @!p1 $0xFFFFFE20, s18  }
0x23: {  	s15 =	simm.s32 @!p2 $0x0;
	s17 =	simm.s32 @!p3 $0x0;
	p3 =	sgt.s32 @!p1 s19, $0x7F  }
0x24: {  	s18 =	ssub.s32 @!p1 $0x260, s18;
	s15 =	smul.u32 @!p1 s17, s15;
	p2 =	por !p3, p1  }
0x25: {  	s16 =	smul.u32 @!p1 $0x260, s16;
	s18 =	simm.s32 @!p2 $0x0  }
0x26: {  	s15 =	smul.u32 @!p1 s18, s15  }
0x27: {  	s18 =	smul.u32 @!p1 $0x13000, s10  }
0x28: {  	s14 =	ssub.s32 @!p1 s14, s16;
	s17 =	sxor.u32 @!p1 $0xFFFFFFFF, s7;
	s19 =	smul.u32 @!p1 $0x2600, s9  }
0x29: {  	s14 =	sshll.u32 @!p1 s14, $0x4;
	s17 =	sshll.u32 @!p1 s17, $0xD;
	s16 =	sadd.s32 @!p1 s2, s18  }
0x2a: {  	s17 =	sand.u32 @!p1 $0x2000, s17;
	s15 =	sand.u32 @!p1 $0x3FFFFFC0, s15;
	s16 =	sadd.s32 @!p1 s19, s16  }
0x2b: {  	s18 =	simm.s32 @!p1 $0x80;
	s14 =	sadd.s32 @!p1 s14, s16;
	s16 =	simm.s32 @!p1 $0x40  }
0x2c: {  	[tilespmem:s17], [sflag:$0x1] =	stream.strided.gather @!p1 [hbm4b:s14+s16], s15, s18, s16, $0x38;
	[tilespmem:$0x8080] =	vst v63  }
0x2d: {  	p1 =	seq.s32 s7, $0x0  }
0x2e: {  	p2 =	seq.s32 @!p1 s7, $0x29  }
0x2f: {  	p1 =	por p1, p2  }
.Ltmp2:
0x30: {  	_ = 	snop;
	(pc) =	sbr.rel @p1 .LBB1_5-.Ltmp2, $1  }
0x31: {  	_ =	sdelay $0x3  }
0x32: {  	p1 =	sgt.s32 s12, $0x1F  }
0x33: {  	s14 =	smov.u32 s12;
	s15 =	sshra.s32 s12, $0x1F;
	s16 =	sshra.s32 s11, $0x1F  }
0x34: {  	p2 =	sgt.s32 s13, $0x1E0;
	s14 =	simm.s32 @!p1 $0x1F;
	s15 =	sand.u32 s15, s12  }
0x35: {  	s18 =	sshra.s32 s13, $0x1F;
	p1 =	sgt.s32 s11, $0x7;
	s14 =	ssub.s32 s14, s15  }
0x36: {  	s16 =	sand.u32 s16, s11;
	s15 =	smov.u32 s11;
	s14 =	sadd.s32 $0xFFFFFFE1, s14  }
0x37: {  	s26 =	sand.u32 s18, s13;
	s15 =	simm.s32 @!p1 $0x7;
	p1 =	sgt.s32 s14, $0x0  }
0x38: {  	s15 =	ssub.s32 s15, s16;
	s16 =	smov.u32 s13;
	s14 =	sshll.u32 s14, $0x6  }
0x39: {  	s17 =	sadd.s32 $0xFFFFFFF9, s15;
	s16 =	simm.s32 @!p2 $0x1E0;
	s15 =	ssub.s32 $0x8, s15  }
0x3a: {  	s14 =	ssub.s32 $0x40, s14;
	p2 =	sgt.s32 s17, $0x0;
	s16 =	ssub.s32 s16, s26  }
0x3b: {  	s14 =	simm.s32 @p1 $0x0;
	s15 =	simm.s32 @p2 $0x0;
	s17 =	sadd.s32 $0xFFFFFE20, s16  }
0x3c: {  	s16 =	ssub.s32 $0x260, s16;
	p1 =	sgt.s32 s17, $0x7F;
	s14 =	smul.u32 s15, s14  }
0x3d: {  	s16 =	simm.s32 @p1 $0x0  }
0x3e: {  	s14 =	smul.u32 s16, s14;
	_ =	sdelay $0x1  }
0x3f: {  	s15 =	simm.s32 $0x1;
	s14 =	sand.u32 $0x3FFFFFC0, s14  }
0x40: {  	s15 =	simm.s32 @!p0 $0x0;
	_ =	swait.ge [sflag:s4], s14  }
0x41: {  	s27 =	sshll.u32 s15, $0xD;
	s14 =	ssub.s32 $0x0, s14;
	[sflag:s4] =	ssyncset.done $0x0  }
0x42: {  	s28 =	sor.u32 $0x20, s27;
	[sflag:s4] =	ssyncadd.s32 s14  }
0x43: {  	s29 =	smul.u32 $0x8100, s15;
	v3 =	vld [tilespmem:s28+$0x10]  }
0x44: {  	s30 =	sand.u32 $0x1, s7;
	v2 =	vld [tilespmem:s28+$0xFFFFFFF0]  }
0x45: {  	s15 =	smul.u32 $0x8100, s30;
	s14 =	sshrl.u32 s29, $0x2;
	v0 =	vld [tilespmem:s28+$0x0]  }
0x46: {  	s16 =	sor.u32 $0x4000, s14;
	v1 =	vld [tilespmem:s28+$0xFFFFFFE0]  }
0x47: {  	s31 =	sshrl.u32 s15, $0x2;
	s15 =	sadd.s32 $0x0, s16  }
0x48: {  	s17 =	simm.s32 $0x4;
	s18 =	sadd.s32 $0x40, s28;
	s14 =	sor.u32 $0x4000, s31;
	[tilespmem:s15+$0x1830 ss:$0x81] =	vst.msk $0xffff, v3  }
.LBB1_3:
0x49: {  	v3 =	vld [tilespmem:s18+$0x10];
	p1 =	sne.s32 s17, $0x1FC;
	[tilespmem:s15+$0x810 ss:$0x81] =	vst.msk $0xffff, v2;
	s19 =	smov.u32 s17;
	s17 =	sadd.s32 $0x4, s17  }
.Ltmp3:
0x4a: {  	v2 =	vld [tilespmem:s18+$0xFFFFFFF0];
	[tilespmem:s15+$0x1020 ss:$0x81] =	vst.msk $0xffff, v0;
	(pc) =	sbr.rel @p1 .LBB1_3-.Ltmp3, $4  }
0x4b: {  	v0 =	vld [tilespmem:s18+$0x0];
	[tilespmem:s15+$0x0 ss:$0x81] =	vst.msk $0xffff, v1  }
0x4c: {  	s15 =	sshra.s32 s19, $0x2;
	v1 =	vld [tilespmem:s18+$0xFFFFFFE0]  }
0x4d: {  	s15 =	sadd.s32 s15, s16  }
0x4e: {  	s18 =	sadd.s32 $0x40, s18;
	[tilespmem:s15+$0x1830 ss:$0x81] =	vst.msk $0xffff, v3  }
0x4f: {  	s16 =	sshll.u32 s13, $0x3  }
0x50: {  	s30 =	sand.u32 $0x7F, s13;
	s16 =	sand.u32 $0xFFFFFC00, s16  }
0x51: {  	s13 =	sor.u32 s30, s16;
	s16 =	smulhi.u32 $0xCCCCCCCD, s16  }
0x52: {  	s17 =	smulhi.u32 $0xCCCCCCCD, s13  }
0x53: {  	s12 =	smul.u32 $0xA000, s12  }
0x54: {  	s11 =	smul.u32 $0x1400, s11;
	s16 =	sshrl.u32 s16, $0x9;
	s17 =	sshrl.u32 s17, $0x9  }
0x55: {  	s16 =	sand.u32 $0x3F, s16;
	s17 =	smul.u32 $0x280, s17  }
0x56: {  	s16 =	smul.u32 $0x50, s16  }
.Ltmp4:
0x57: {  	s12 =	sadd.s32 s3, s12;
	s13 =	ssub.s32 s13, s17;
	(pc) =	sbr.rel .LBB1_5-.Ltmp4, $4  }
0x58: {  	[tilespmem:s15+$0x810 ss:$0x81] =	vst.msk $0xffff, v2;
	s11 =	sadd.s32 s11, s12;
	s31 =	sand.u32 $0x7, s13  }
0x59: {  	[tilespmem:s15+$0x1020 ss:$0x81] =	vst.msk $0xffff, v0;
	s11 =	sadd.s32 s16, s11;
	s13 =	sshrl.u32 s13, $0x3;
	s12 =	sshll.u32 s31, $0x12  }
0x5a: {  	[tilespmem:s15+$0x0 ss:$0x81] =	vst.msk $0xffff, v1;
	s11 =	sadd.s32 s13, s11;
	s12 =	sor.u32 $0x400, s12  }
0x5b: {  	[hbm4b:s11+s12] =	stream.strided.scatter [tilespmem:s14], [sflag:$0x2], $0x2000, s6, s12, $0x20;
	[tilespmem:$0x8080] =	vst v63  }
.LBB1_6:
0x5c: {  	_ =	sfence.sel $0x180000  }
0x5d: {  	s2 =	simm.s32 $0x1;
	[bflag:$0x0] =	sbarrier.arrive $0xFFFF  }
0x5e: {  	s31 =	simm.s32 $0x2;
	[sflag:s2] =	ssyncpa.u1 $0x1  }
0x5f: {  	[sflag:s31] =	ssyncpa.u1 $0x1  }
0x60: {  	p0 =	sne.s32 s1, $0x0;
	_ =	strace $0x9000004D  }
0x61: {  	s0 =	sadd.s32 @!p0 $0x100000, s0;
	[bflag:$0x2] =	sbarrier.arrive $0xFFFF  }
0x62: {  	[sflag:s0] =	ssyncadd.tile.s32 @!p0 $0x1;
	_ =	shalt  }
.Lfunc_end1:
_tile_overlayer_lowered:
.L_overlay_start_2:
0x63: {  	(tag) =	ssettag $0x2  }
0x64: {  	s0 =	rddreg [dreg:$0x0];
	s2 =	stileid.u32  }
0x65: {  	s1 =	rddreg [dreg:$0x1];
	p0 =	sne.s32 s2, $0x0  }
0x66: {  	s3 =	rddreg [dreg:$0x2];
	[bflag:$0x3] =	sbarrier.arrive $0xFFFF;
	s2 =	simm.s32 @!p0 $0x1C01  }
0x67: {  	[timem:s3], [sflag:s2] =	dma.local @!p0 [hbm:s0], s1  }
0x68: {  	s0 =	simm.s32 @!p0 $0x1  }
0x69: {  	_ =	swait.ge @!p0 [sflag:s0], s1  }
0x6a: {  	s1 =	ssub.s32 @!p0 $0x0, s1;
	[sflag:s0] =	ssyncset.done @!p0 $0x0  }
0x6b: {  	[sflag:s0] =	ssyncadd.s32 @!p0 s1  }
0x6c: {  	[bflag:$0x3] =	sbarrier.arrive $0xFFFF  }
0x6d: {  	_ =	shalt  }

// kernel: sparse-core-data-format-call.4.cloned.1.call-start
scs
called_computation.4_lowered:
.L_overlay_start_0:
0x0: {  	s2 =	sld [smem:$0x3FD9]  }
0x1: {  	s3 =	sld [smem:$0x3FFE];
	_ =	sdelay $0x1  }
0x2: {  	s1 =	srdreg.scid  }
0x3: {  	s0 =	sand.u32 $0x1, s1  }
0x4: {  	s18 =	sshll.u32 s0, $0xA;
	s2 =	sadd.s32 s3, s2  }
0x5: {  	s2 =	sadd.s32 s2, s18  }
0x6: {  	[smem:$0x3FA4] =	sst s2  }
0x7: {  	_ = 	snop  }
0x8: {  	(tm) =	ssettm $0x1  }
0x9: {  	s19 =	sld [smem:$0x3FFB];
	_ =	sdelay $0x3  }
0xa: {  	_ =	strace s19  }
0xb: {  	s2 =	sld [smem:$0x3FFC];
	_ =	sdelay $0x3  }
0xc: {  	_ =	strace s2  }
0xd: {  	s2 =	sld [smem:$0x3FFD];
	_ =	sdelay $0x3  }
0xe: {  	_ =	strace s2  }
0xf: {  	_ =	strace $0x8FFFFFFF  }
0x10: {  	s20 =	sld [smem:$0x3FDB];
	_ =	sdelay $0x1  }
0x11: {  	s21 =	simm.s32 $_scs_section_size  }
0x12: {  	s4 =	simm.s32 $_size__tile_overlayer_lowered;
	s5 =	simm.s32 $_tile_overlayer_lowered  }
0x13: {  	s6 =	simm.s32 $0x1BFF;
	s22 =	sshll.u32 s5, $0x1;
	s3 =	sadd.s32 s21, s20  }
0x14: {  	s23 =	simm.s32 $0x0;
	s4 =	sshll.u32 s4, $0x1;
	s5 =	sadd.s32 s22, s3  }
0x15: {  	[timem:s23], [sflag:s6] =	dma.local [hbm:s5], s4  }
0x16: {  	_ =	swait.ge [sflag:s6], s4  }
0x17: {  	s4 =	ssub.s32 $0x0, s4;
	[sflag:s6] =	ssyncset.done $0x0  }
0x18: {  	[sflag:s6] =	ssyncadd.s32 s4;
	_ =	sdelay $0x1  }
0x19: {  	s24 =	simm.s32 $0x1B8B  }
0x1a: {  	_ =	swait.ge [sflag:s24], $0x1  }
0x1b: {  	[sflag:s24] =	ssyncset.done $0x0  }
0x1c: {  	[sflag:s24] =	ssyncadd.s32 $0xFFFFFFFF  }
0x1d: {  	s4 =	sld [smem:$0x0]  }
0x1e: {  	s5 =	sand.u32 $0xFFFFFFFE, s1  }
0x1f: {  	p0 =	sne.s32 s1, s5  }
0x20: {  	s5 =	sshll.u32 @p0 s5, $0xE  }
0x21: {  	s5 =	sadd.s32 @p0 $0x11B8D, s5;
	s6 =	sshll.u32 @p0 s4, $0x11  }
0x22: {  	s5 =	sor.u32 @p0 s6, s5  }
0x23: {  	[sflag:s5] =	ssyncadd.remote.s32 @p0 $0x1;
	_ =	sdelay $0x1  }
0x24: {  	s5 =	simm.s32 @p0 $0x1B8D  }
0x25: {  	_ =	swait.eq @p0 [sflag:s5], $0x1  }
0x26: {  	[sflag:s5] =	ssyncadd.s32 @p0 $0xFFFFFFFF  }
0x27: {  	s6 =	sshll.u32 @!p0 s1, $0xE  }
0x28: {  	s6 =	sor.u32 @!p0 $0x4000, s6;
	s5 =	simm.s32 @!p0 $0x1B8D  }
0x29: {  	s4 =	sshll.u32 @!p0 s4, $0x11;
	s6 =	sadd.s32 @!p0 $0x11B8D, s6;
	_ =	swait.eq @!p0 [sflag:s5], $0x1  }
0x2a: {  	s4 =	sor.u32 @!p0 s4, s6;
	[sflag:s5] =	ssyncadd.s32 @!p0 $0xFFFFFFFF  }
0x2b: {  	s26 =	simm.s32 $0x1B8E;
	s25 =	sld [smem:$0x3FFE];
	[sflag:s4] =	ssyncadd.remote.s32 @!p0 $0x1  }
0x2c: {  	s27 =	simm.s32 $execute0_lowered;
	[smem:$0x3FD2] =	sst s26  }
0x2d: {  	s5 =	sshll.u32 s27, $0x1;
	_ =	strace $0x80000049;
	[dreg:$0x1] =	wrdreg $0xFFFFFFFF  }
0x2e: {  	s28 =	simm.s32 $_size_execute0_lowered;
	s3 =	sadd.s32 s3, s5;
	[dreg:$0x0] =	wrdreg $0x0  }
0x2f: {  	s5 =	sshll.u32 s28, $0x1;
	[dreg:$0x2] =	wrdreg s3  }
0x30: {  	[dreg:$0x3] =	wrdreg s5  }
0x31: {  	[dreg:$0x4] =	wrdreg $0xC0  }
0x32: {  	_ =	task [dreg:s23], $0x5FFFF  }
0x33: {  	[dreg:$0x1] =	wrdreg $0xFFFFFFFF  }
0x34: {  	[dreg:$0x0] =	wrdreg $0x60  }
0x35: {  	[dreg:$0x2] =	wrdreg s25  }
0x36: {  	[dreg:$0x3] =	wrdreg $0x9  }
0x37: {  	_ =	task.clear_ibuf [dreg:s23], $0x4FFFF;
	_ =	strace $0x90000049  }
0x38: {  	s29 =	simm.s32 $0x9;
	_ =	strace $0x8000004B  }
0x39: {  	_ =	swait.ge [sflag:s29], $0x1  }
0x3a: {  	[sflag:s29] =	ssyncadd.s32 $0xFFFFFFFF  }
0x3b: {  	_ =	strace $0x9000004B  }
0x3c: {  	_ =	sfence  }
0x3d: {  	s30 =	sld [smem:$0x0];
	_ =	sdelay $0x2  }
0x3e: {  	s31 =	sshll.u32 s1, $0xD;
	s1 =	sshrl.u32 s1, $0x2  }
0x3f: {  	s4 =	sand.u32 $0x4000, s31;
	s1 =	sadd.s32 s1, s30  }
0x40: {  	s0 =	sor.u32 s4, s0;
	s1 =	sshll.u32 s1, $0x11  }
0x41: {  	s0 =	sor.u32 s1, s0  }
0x42: {  	s0 =	sadd.s32 $0x8F2B, s0  }
0x43: {  	[sflag:s0] =	ssyncadd.remote.s32 $0x1  }
0x44: {  	_ =	sfence.sel $0xFFFF  }
0x45: {  	[dreg:$0x0] =	wrdreg $0xFFFFFFFF;
	(pc) =	sbr.abs _section_cstart, $3  }
0x46: {  	[dreg:$0x1] =	wrdreg $0xFFFFFFFF  }
0x47: {  	_ =	task.clear_ibuf [dreg:s23], $0x2FFFF;
	_ =	strace $0x9FFFFFFF  }
0x48: {  	(tm) =	ssettm $0x7FFFFFFF  }
0x49: {  	_ =	shalt  }
tec
execute0_lowered:
.L_overlay_start_1:
0x0: {  	(tag) =	ssettag $0x1  }
0x1: {  	s1 =	rddreg [dreg:$0x0]  }
0x2: {  	s0 =	rddreg [dreg:$0x1];
	_ =	strace $0x8000004A  }
0x3: {  	s4 =	srdreg.scid;
	s6 =	simm.s32 $0x2;
	s17 =	simm.s32 $0x0  }
0x4: {  	p0 =	por $0x0, $0x0;
	s16 =	simm.s32 $0x0;
	s18 =	simm.s32 $0x0  }
0x5: {  	s19 =	simm.s32 $0x0;
	s7 =	simm.s32 $0x0;
	s8 =	simm.s32 $0x0  }
0x6: {  	s10 =	simm.s32 $0x0;
	s11 =	simm.s32 $0x0;
	s12 =	simm.s32 $0x0  }
.Ltmp0:
0x7: {  	s13 =	simm.s32 $0x0;
	s14 =	simm.s32 $0x0;
	(pc) =	sbr.rel .LBB1_1-.Ltmp0, $4  }
0x8: {  	s2 =	sadd.s32 $0x733400, s1;
	s3 =	sadd.s32 $0x133400, s1;
	s4 =	sshll.u32 s4, $0x4  }
0x9: {  	s1 =	stileid.u32;
	s5 =	sand.u32 $0x10, s4;
	s4 =	simm.s32 $0x1  }
0xa: {  	s9 =	simm.s32 $0x0;
	s5 =	sor.u32 s1, s5;
	[sflag:s4] =	ssyncpa.u1 $0x0  }
0xb: {  	[sflag:s6] =	ssyncpa.u1 $0x0;
	s6 =	simm.s32 $0x80;
	s15 =	smov.u32 s5  }
.LBB1_5:
0xc: {  	p1 =	slt.u32 s9, $0x2;
	s20 =	smov.u32 s19  }
0xd: {  	s23 =	smov.u32 s15;
	s9 =	sadd.s32 $0x1, s9;
	p2 =	sgt.s32 @!p1 s19, $0x1F  }
0xe: {  	p0 =	por !p0, !p0;
	s21 =	sshra.s32 @!p1 s19, $0x1F;
	p2 =	por !p2, p1  }
0xf: {  	s22 =	sshra.s32 @!p1 s18, $0x1F;
	s19 =	sand.u32 @!p1 s21, s19;
	s20 =	simm.s32 @p2 $0x1F  }
0x10: {  	s21 =	smov.u32 s18;
	p2 =	sgt.s32 @!p1 s18, $0x7;
	s19 =	ssub.s32 @!p1 s20, s19  }
0x11: {  	s18 =	sand.u32 @!p1 s22, s18;
	p2 =	por !p2, p1;
	s20 =	sadd.s32 @!p1 $0xFFFFFFE1, s19  }
0x12: {  	s21 =	simm.s32 @p2 $0x7;
	s19 =	ssub.s32 @!p1 $0x20, s19;
	p3 =	sgt.s32 @!p1 s20, $0x0  }
0x13: {  	s18 =	ssub.s32 @!p1 s21, s18;
	s21 =	sshra.s32 @!p1 s17, $0x1F;
	p2 =	por !p3, p1  }
0x14: {  	s20 =	sadd.s32 @!p1 $0xFFFFFFF9, s18;
	s18 =	ssub.s32 @!p1 $0x8, s18;
	p3 =	sgt.s32 @!p1 s17, $0x1E0  }
0x15: {  	s19 =	simm.s32 @!p2 $0x0;
	p2 =	sgt.s32 @!p1 s20, $0x0;
	p3 =	por !p3, p1  }
0x16: {  	s20 =	smov.u32 s17;
	s17 =	sand.u32 @!p1 s21, s17;
	s21 =	sshra.s32 @!p1 s16, $0x1F  }
0x17: {  	p2 =	por !p2, p1;
	s20 =	simm.s32 @p3 $0x1E0;
	p3 =	sgt.s32 @!p1 s16, $0x40  }
0x18: {  	s17 =	ssub.s32 @!p1 s20, s17;
	p3 =	por !p3, p1;
	s20 =	smov.u32 s16  }
0x19: {  	s18 =	simm.s32 @!p2 $0x0;
	s16 =	sand.u32 @!p1 s21, s16;
	s20 =	simm.s32 @p3 $0x40  }
0x1a: {  	s18 =	smul.u32 @!p1 s19, s18;
	s19 =	sadd.s32 @!p1 $0xFFFFFE20, s17;
	s16 =	ssub.s32 @!p1 s20, s16  }
0x1b: {  	s21 =	smov.u32 s13;
	p2 =	sgt.s32 @!p1 s19, $0x7F;
	s19 =	sadd.s32 @!p1 $0xFFFFFFC0, s16  }
0x1c: {  	s20 =	sadd.s32 $0x80, s12;
	s16 =	ssub.s32 @!p1 $0x80, s16;
	p3 =	sgt.s32 @!p1 s19, $0x3F  }
0x1d: {  	p4 =	sgt.s32 s20, $0x25F;
	s19 =	sadd.s32 $0x40, s13;
	p3 =	por !p3, p1  }
0x1e: {  	s24 =	simm.s32 @!p1 $0x2;
	s21 =	smov.u32 @p4 s19;
	s16 =	simm.s32 @!p3 $0x0  }
0x1f: {  	p3 =	sgt.s32 s21, $0x3F;
	s16 =	smul.u32 @!p1 s16, s18;
	s18 =	simm.s32 $0x1  }
0x20: {  	s17 =	ssub.s32 @!p1 $0x260, s17;
	p2 =	por !p2, p1;
	s18 =	simm.s32 @!p3 $0x0  }
0x21: {  	s17 =	simm.s32 @!p2 $0x0;
	s20 =	simm.s32 @p4 $0x0;
	s22 =	sadd.s32 s18, s14  }
0x22: {  	s16 =	smul.u32 @!p1 s17, s16;
	s17 =	sadd.s32 $0x20, s15;
	p2 =	sgt.s32 s22, $0x7  }
0x23: {  	s19 =	smov.u32 s11;
	s11 =	smov.u32 s15;
	s23 =	smov.u32 @p2 s17  }
0x24: {  	s21 =	simm.s32 @p3 $0x0;
	s22 =	simm.s32 @p2 $0x0;
	p2 =	sgt.s32 s23, $0x1F  }
0x25: {  	s18 =	smov.u32 s10;
	s23 =	smov.u32 @p2 s5;
	p2 =	sne.s32 s9, $0x2A  }
.Ltmp1:
0x26: {  	s10 =	smov.u32 s14;
	s16 =	sand.u32 @!p1 $0x3FFFFFFF, s16;
	(pc) =	sbr.rel @!p2 .LBB1_6-.Ltmp1, $4  }
0x27: {  	s17 =	smov.u32 s7;
	s7 =	smov.u32 s12;
	s12 =	smov.u32 s20  }
0x28: {  	_ =	swait.ge @!p1 [sflag:s24], s16;
	s25 =	ssub.s32 @!p1 $0x0, s16;
	s16 =	smov.u32 s8  }
0x29: {  	s8 =	smov.u32 s13;
	s13 =	smov.u32 s21;
	[sflag:s24] =	ssyncset.done @!p1 $0x0  }
0x2a: {  	s14 =	smov.u32 s22;
	[sflag:s24] =	ssyncadd.s32 @!p1 s25;
	s15 =	smov.u32 s23  }
.LBB1_1:
0x2b: {  	p1 =	sgt.u32 s9, $0x27  }
0x2c: {  	s20 =	sshrl.u32 @!p1 s13, $0x3  }
0x2d: {  	s21 =	sshll.u32 @!p1 s12, $0x3;
	s20 =	smul.u32 @!p1 $0x1400, s20  }
0x2e: {  	s22 =	sshll.u32 @!p1 s13, $0x7;
	s21 =	sand.u32 @!p1 $0xFFFFFC00, s21  }
0x2f: {  	s20 =	sadd.s32 @!p1 s20, s21;
	s21 =	sand.u32 @!p1 $0x380, s22  }
0x30: {  	s22 =	sand.u32 @!p1 $0x7F, s12;
	s20 =	sor.u32 @!p1 s21, s20  }
0x31: {  	s21 =	sor.u32 @!p1 s22, s20  }
0x32: {  	s22 =	smulhi.u32 @!p1 $0xCCCCCCCD, s21  }
0x33: {  	s20 =	smulhi.u32 @!p1 $0xCCCCCCCD, s20  }
0x34: {  	s24 =	smul.u32 @!p1 $0xA000, s15;
	s22 =	sshrl.u32 @!p1 s22, $0x9  }
0x35: {  	s23 =	sxor.u32 @!p1 $0xFFFFFFFF, s9;
	s20 =	sshrl.u32 @!p1 s20, $0x9;
	s22 =	smul.u32 @!p1 $0x280, s22  }
0x36: {  	s25 =	smul.u32 @!p1 $0x1400, s14;
	s23 =	sshll.u32 @!p1 s23, $0xD;
	s20 =	sand.u32 @!p1 $0x3F, s20  }
0x37: {  	s20 =	smul.u32 @!p1 $0x50, s20;
	s21 =	ssub.s32 @!p1 s21, s22;
	s22 =	sadd.s32 @!p1 s2, s24  }
0x38: {  	s23 =	sand.u32 @!p1 $0x2000, s23;
	s22 =	sadd.s32 @!p1 s25, s22;
	s24 =	sand.u32 @!p1 $0x7, s21  }
0x39: {  	s21 =	sshrl.u32 @!p1 s21, $0x3;
	s20 =	sadd.s32 @!p1 s20, s22;
	s22 =	sshll.u32 @!p1 s24, $0x12  }
0x3a: {  	s20 =	sadd.s32 @!p1 s21, s20;
	s21 =	sor.u32 @!p1 $0x400, s22;
	s22 =	simm.s32 @!p1 $0x1400  }
0x3b: {  	[tilespmem:s23], [sflag:$0x1] =	stream.strided.gather @!p1 [hbm4b:s20+s21], $0x2000, s22, s21, $0x38;
	[tilespmem:$0x8100] =	vst v63  }
0x3c: {  	p1 =	seq.s32 s9, $0x0  }
0x3d: {  	p2 =	seq.s32 @!p1 s9, $0x29  }
0x3e: {  	p1 =	por p1, p2  }
.Ltmp2:
0x3f: {  	_ = 	snop;
	(pc) =	sbr.rel @p1 .LBB1_5-.Ltmp2, $1  }
0x40: {  	_ =	sdelay $0x3  }
0x41: {  	s20 =	simm.s32 $0x1  }
0x42: {  	_ =	swait.ge [sflag:s4], $0x2000;
	s20 =	simm.s32 @!p0 $0x0  }
0x43: {  	[sflag:s4] =	ssyncset.done $0x0;
	s21 =	sshll.u32 s20, $0xD  }
0x44: {  	[sflag:s4] =	ssyncadd.s32 $0xFFFFE000;
	s21 =	sor.u32 $0x40, s21  }
0x45: {  	s20 =	smul.u32 $0x8200, s20;
	v0 =	vld [tilespmem:s21+$0x30]  }
0x46: {  	v1 =	vld [tilespmem:s21+$0xFFFFFFD0]  }
0x47: {  	s20 =	sshrl.u32 s20, $0x2;
	v5 =	vld [tilespmem:s21+$0xFFFFFFE0]  }
0x48: {  	v6 =	vld [tilespmem:s21+$0xFFFFFFF0];
	s23 =	sor.u32 $0x4000, s20  }
0x49: {  	s31 =	sand.u32 $0x1, s9;
	v4 =	vld [tilespmem:s21+$0x0];
	s22 =	sadd.s32 $0x0, s23  }
0x4a: {  	v3 =	vld [tilespmem:s21+$0x10];
	s20 =	smul.u32 $0x8200, s31;
	[tilespmem:s22+$0x1C70 ss:$0x41] =	vst.msk $0xffff, v0  }
0x4b: {  	v2 =	vld [tilespmem:s21+$0x20];
	[tilespmem:s22+$0x410 ss:$0x41] =	vst.msk $0xffff, v1  }
0x4c: {  	s20 =	sshrl.u32 s20, $0x2;
	v1 =	vld [tilespmem:s21+$0xFFFFFFC0];
	[tilespmem:s22+$0x820 ss:$0x41] =	vst.msk $0xffff, v5;
	s21 =	sadd.s32 $0x80, s21  }
0x4d: {  	s24 =	simm.s32 $0x4;
	s25 =	simm.s32 $0x8;
	s20 =	sor.u32 $0x4000, s20;
	[tilespmem:s22+$0xC30 ss:$0x41] =	vst.msk $0xffff, v6;
	v0 =	vld [tilespmem:s21+$0x30]  }
.LBB1_3:
0x4e: {  	p1 =	sne.s32 s25, $0xFC;
	v5 =	vld [tilespmem:s21+$0xFFFFFFD0];
	[tilespmem:s22+$0x1040 ss:$0x41] =	vst.msk $0xffff, v4  }
0x4f: {  	v6 =	vld [tilespmem:s21+$0xFFFFFFE0];
	[tilespmem:s22+$0x1450 ss:$0x41] =	vst.msk $0xffff, v3  }
0x50: {  	s26 =	sshra.s32 s24, $0x2;
	s24 =	smov.u32 s25;
	v7 =	vld [tilespmem:s21+$0xFFFFFFF0];
	[tilespmem:s22+$0x1860 ss:$0x41] =	vst.msk $0xffff, v2  }
.Ltmp3:
0x51: {  	v4 =	vld [tilespmem:s21+$0x0];
	[tilespmem:s22+$0x0 ss:$0x41] =	vst.msk $0xffff, v1;
	s22 =	sadd.s32 s26, s23;
	(pc) =	sbr.rel @p1 .LBB1_3-.Ltmp3, $4  }
0x52: {  	v3 =	vld [tilespmem:s21+$0x10];
	[tilespmem:s22+$0x1C70 ss:$0x41] =	vst.msk $0xffff, v0  }
0x53: {  	[tilespmem:s22+$0x410 ss:$0x41] =	vst.msk $0xffff, v5;
	v2 =	vld [tilespmem:s21+$0x20]  }
0x54: {  	v1 =	vld [tilespmem:s21+$0xFFFFFFC0];
	[tilespmem:s22+$0x820 ss:$0x41] =	vst.msk $0xffff, v6;
	s21 =	sadd.s32 $0x80, s21  }
0x55: {  	s25 =	sadd.s32 $0x4, s25;
	v0 =	vld [tilespmem:s21+$0x30];
	[tilespmem:s22+$0xC30 ss:$0x41] =	vst.msk $0xffff, v7  }
0x56: {  	s25 =	sshll.u32 s7, $0x7  }
0x57: {  	s26 =	sshll.u32 s8, $0x3;
	p1 =	sgt.s32 s11, $0x1F;
	s28 =	sshra.s32 s11, $0x1F  }
0x58: {  	p2 =	sgt.s32 s10, $0x7;
	s29 =	sshra.s32 s10, $0x1F;
	s31 =	sshra.s32 s8, $0x1F  }
0x59: {  	s24 =	sshra.s32 s24, $0x2;
	s27 =	sand.u32 $0xFFFFFC00, s25;
	s26 =	sand.u32 $0xFFFFFC00, s26  }
0x5a: {  	s25 =	sand.u32 $0x380, s25;
	s28 =	sand.u32 s28, s11;
	s30 =	sand.u32 s29, s10  }
0x5b: {  	s29 =	sand.u32 s31, s8;
	s26 =	sadd.s32 s26, s27;
	s27 =	smov.u32 s11  }
0x5c: {  	s23 =	sadd.s32 s24, s23;
	s27 =	simm.s32 @!p1 $0x1F;
	s25 =	sor.u32 s25, s26  }
0x5d: {  	s26 =	ssub.s32 s27, s28;
	s28 =	smov.u32 s10;
	s25 =	sshrl.u32 s25, $0x7  }
0x5e: {  	s27 =	sadd.s32 $0xFFFFFFE1, s26;
	s28 =	simm.s32 @!p2 $0x7;
	p2 =	sgt.s32 s8, $0x40  }
0x5f: {  	p1 =	sgt.s32 s27, $0x0;
	s27 =	ssub.s32 s28, s30;
	s28 =	smov.u32 s8  }
0x60: {  	s26 =	ssub.s32 $0x20, s26;
	s30 =	sadd.s32 $0xFFFFFFF9, s27;
	s28 =	simm.s32 @!p2 $0x40  }
0x61: {  	s27 =	ssub.s32 $0x8, s27;
	s26 =	simm.s32 @p1 $0x0;
	p1 =	sgt.s32 s7, $0x1E0  }
0x62: {  	v5 =	vld [tilespmem:s21+$0xFFFFFFD0];
	[tilespmem:s22+$0x1040 ss:$0x41] =	vst.msk $0xffff, v4;
	p2 =	sgt.s32 s30, $0x0;
	s28 =	ssub.s32 s28, s29;
	s29 =	smulhi.u32 $0x6BCA1B, s25  }
0x63: {  	v58 =	vld [tilespmem:s21+$0xFFFFFFE0];
	[tilespmem:s22+$0x1450 ss:$0x41] =	vst.msk $0xffff, v3;
	s30 =	sshra.s32 s7, $0x1F;
	s27 =	simm.s32 @p2 $0x0;
	s31 =	sadd.s32 $0xFFFFFFC0, s28  }
0x64: {  	v59 =	vld [tilespmem:s21+$0xFFFFFFF0];
	[tilespmem:s22+$0x1860 ss:$0x41] =	vst.msk $0xffff, v2;
	s24 =	smul.u32 s26, s27;
	s27 =	smov.u32 s7;
	p2 =	sgt.s32 s31, $0x3F  }
0x65: {  	v60 =	vld [tilespmem:s21+$0x0];
	[tilespmem:s22+$0x0 ss:$0x41] =	vst.msk $0xffff, v1;
	s31 =	sand.u32 s30, s7;
	s26 =	ssub.s32 $0x80, s28;
	s28 =	smul.u32 $0x260, s29  }
0x66: {  	v61 =	vld [tilespmem:s21+$0x10];
	[tilespmem:s23+$0x1C70 ss:$0x41] =	vst.msk $0xffff, v0;
	s30 =	smul.u32 $0x13000, s11;
	s27 =	simm.s32 @!p1 $0x1E0;
	s26 =	simm.s32 @p2 $0x0  }
0x67: {  	v62 =	vld [tilespmem:s21+$0x20];
	[tilespmem:s23+$0x410 ss:$0x41] =	vst.msk $0xffff, v5;
	s22 =	ssub.s32 s27, s31;
	s24 =	smul.u32 s26, s24;
	s25 =	ssub.s32 s25, s28  }
0x68: {  	v63 =	vld [tilespmem:s21+$0xFFFFFFC0];
	[tilespmem:s23+$0x820 ss:$0x41] =	vst.msk $0xffff, v58;
	s31 =	smul.u32 $0x2600, s10;
	s27 =	sshrl.u32 s8, $0x3;
	s29 =	sadd.s32 $0xFFFFFE20, s22  }
0x69: {  	[tilespmem:s23+$0xC30 ss:$0x41] =	vst.msk $0xffff, v59;
	s28 =	sand.u32 $0x7, s8;
	s21 =	ssub.s32 $0x260, s22;
	p1 =	sgt.s32 s29, $0x7F  }
.Ltmp4:
0x6a: {  	[tilespmem:s23+$0x1040 ss:$0x41] =	vst.msk $0xffff, v60;
	s22 =	sadd.s32 s3, s30;
	s21 =	simm.s32 @p1 $0x0;
	(pc) =	sbr.rel .LBB1_5-.Ltmp4, $4  }
0x6b: {  	[tilespmem:s23+$0x1450 ss:$0x41] =	vst.msk $0xffff, v61;
	s22 =	sadd.s32 s31, s22;
	s21 =	smul.u32 s21, s24;
	s24 =	sand.u32 $0xF, s27  }
0x6c: {  	[tilespmem:s23+$0x1860 ss:$0x41] =	vst.msk $0xffff, v62;
	s30 =	sshll.u32 s28, $0x12;
	s29 =	sshll.u32 s25, $0x4;
	s22 =	sadd.s32 s24, s22  }
0x6d: {  	[tilespmem:s23+$0x0 ss:$0x41] =	vst.msk $0xffff, v63;
	s31 =	sor.u32 $0x40, s30;
	s21 =	sand.u32 $0x3FFFFFFF, s21;
	s22 =	sadd.s32 s29, s22  }
0x6e: {  	[hbm4b:s22+s31] =	stream.strided.scatter [tilespmem:s20], [sflag:$0x2], s21, s6, s31, $0x18;
	[tilespmem:$0x8100] =	vst v63  }
.LBB1_6:
0x6f: {  	_ =	sfence.sel $0x180000  }
0x70: {  	s2 =	simm.s32 $0x1;
	[bflag:$0x0] =	sbarrier.arrive $0xFFFF  }
0x71: {  	s31 =	simm.s32 $0x2;
	[sflag:s2] =	ssyncpa.u1 $0x1  }
0x72: {  	[sflag:s31] =	ssyncpa.u1 $0x1  }
0x73: {  	p0 =	sne.s32 s1, $0x0;
	_ =	strace $0x9000004A  }
0x74: {  	s0 =	sadd.s32 @!p0 $0x100000, s0;
	[bflag:$0x2] =	sbarrier.arrive $0xFFFF  }
0x75: {  	[sflag:s0] =	ssyncadd.tile.s32 @!p0 $0x1;
	_ =	shalt  }
.Lfunc_end1:
_tile_overlayer_lowered:
.L_overlay_start_2:
0x76: {  	(tag) =	ssettag $0x2  }
0x77: {  	s0 =	rddreg [dreg:$0x0];
	s2 =	stileid.u32  }
0x78: {  	s1 =	rddreg [dreg:$0x1];
	p0 =	sne.s32 s2, $0x0  }
0x79: {  	s3 =	rddreg [dreg:$0x2];
	[bflag:$0x3] =	sbarrier.arrive $0xFFFF;
	s2 =	simm.s32 @!p0 $0x1C01  }
0x7a: {  	[timem:s3], [sflag:s2] =	dma.local @!p0 [hbm:s0], s1  }
0x7b: {  	s0 =	simm.s32 @!p0 $0x1  }
0x7c: {  	_ =	swait.ge @!p0 [sflag:s0], s1  }
0x7d: {  	s1 =	ssub.s32 @!p0 $0x0, s1;
	[sflag:s0] =	ssyncset.done @!p0 $0x0  }
0x7e: {  	[sflag:s0] =	ssyncadd.s32 @!p0 s1  }
0x7f: {  	[bflag:$0x3] =	sbarrier.arrive $0xFFFF  }
0x80: {  	_ =	shalt  }

// kernel: sparse-core-data-format-call.5.cloned.1.call-start
scs
called_computation.5_lowered:
.L_overlay_start_0:
0x0: {  	s1 =	sld [smem:$0x3FD9]  }
0x1: {  	s2 =	sld [smem:$0x3FFE];
	_ =	sdelay $0x1  }
0x2: {  	s3 =	srdreg.scid  }
0x3: {  	s0 =	sand.u32 $0x1, s3  }
0x4: {  	s17 =	sshll.u32 s0, $0xA;
	s1 =	sadd.s32 s2, s1  }
0x5: {  	s1 =	sadd.s32 s1, s17  }
0x6: {  	[smem:$0x3FA4] =	sst s1  }
0x7: {  	_ = 	snop  }
0x8: {  	(tm) =	ssettm $0x1  }
0x9: {  	s18 =	sld [smem:$0x3FFB];
	_ =	sdelay $0x3  }
0xa: {  	_ =	strace s18  }
0xb: {  	s1 =	sld [smem:$0x3FFC];
	_ =	sdelay $0x3  }
0xc: {  	_ =	strace s1  }
0xd: {  	s1 =	sld [smem:$0x3FFD];
	_ =	sdelay $0x3  }
0xe: {  	_ =	strace s1  }
0xf: {  	_ =	strace $0x8FFFFFFF  }
0x10: {  	s19 =	sld [smem:$0x3FDB];
	_ =	sdelay $0x1  }
0x11: {  	s20 =	simm.s32 $_scs_section_size  }
0x12: {  	s4 =	simm.s32 $_size__tile_overlayer_lowered;
	s5 =	simm.s32 $_tile_overlayer_lowered  }
0x13: {  	s23 =	simm.s32 $0x1BFF;
	s22 =	sshll.u32 s5, $0x1;
	s1 =	sadd.s32 s20, s19  }
0x14: {  	s6 =	simm.s32 $0x0;
	s21 =	sshll.u32 s4, $0x1;
	s4 =	sadd.s32 s22, s1  }
0x15: {  	[timem:s6], [sflag:s23] =	dma.local [hbm:s4], s21  }
0x16: {  	_ =	swait.ge [sflag:s23], s21  }
0x17: {  	s2 =	ssub.s32 $0x0, s21;
	[sflag:s23] =	ssyncset.done $0x0  }
0x18: {  	[sflag:s23] =	ssyncadd.s32 s2;
	_ =	sdelay $0x1  }
0x19: {  	s24 =	simm.s32 $0x1B8B  }
0x1a: {  	_ =	swait.ge [sflag:s24], $0x1  }
0x1b: {  	[sflag:s24] =	ssyncset.done $0x0  }
0x1c: {  	s26 =	simm.s32 $0x1B8E;
	s25 =	sld [smem:$0x3FFE];
	[sflag:s24] =	ssyncadd.s32 $0xFFFFFFFF  }
0x1d: {  	s27 =	simm.s32 $execute0_lowered;
	[smem:$0x3FD2] =	sst s26  }
0x1e: {  	s4 =	sshll.u32 s27, $0x1;
	_ =	strace $0x80000046;
	[dreg:$0x1] =	wrdreg $0xFFFFFFFF  }
0x1f: {  	s28 =	simm.s32 $_size_execute0_lowered;
	s1 =	sadd.s32 s1, s4;
	[dreg:$0x0] =	wrdreg $0x0  }
0x20: {  	s4 =	sshll.u32 s28, $0x1;
	[dreg:$0x2] =	wrdreg s1  }
0x21: {  	[dreg:$0x3] =	wrdreg s4  }
0x22: {  	[dreg:$0x4] =	wrdreg $0xC0  }
0x23: {  	_ =	task [dreg:s6], $0x5FFFF  }
0x24: {  	[dreg:$0x1] =	wrdreg $0xFFFFFFFF  }
0x25: {  	[dreg:$0x0] =	wrdreg $0x60  }
0x26: {  	[dreg:$0x2] =	wrdreg s25  }
0x27: {  	[dreg:$0x3] =	wrdreg $0xA  }
0x28: {  	_ =	task.clear_ibuf [dreg:s6], $0x4FFFF;
	_ =	strace $0x90000046  }
0x29: {  	s29 =	simm.s32 $0xA;
	_ =	strace $0x80000048  }
0x2a: {  	_ =	swait.ge [sflag:s29], $0x1  }
0x2b: {  	[sflag:s29] =	ssyncadd.s32 $0xFFFFFFFF  }
0x2c: {  	_ =	strace $0x90000048  }
0x2d: {  	_ =	sfence  }
0x2e: {  	s30 =	sld [smem:$0x0];
	_ =	sdelay $0x2  }
0x2f: {  	s31 =	sshll.u32 s3, $0xD;
	s3 =	sshrl.u32 s3, $0x2  }
0x30: {  	s2 =	sand.u32 $0x4000, s31;
	s1 =	sadd.s32 s3, s30  }
0x31: {  	s0 =	sor.u32 s2, s0;
	s1 =	sshll.u32 s1, $0x11  }
0x32: {  	s0 =	sor.u32 s1, s0  }
0x33: {  	s0 =	sadd.s32 $0x8F2B, s0  }
0x34: {  	[sflag:s0] =	ssyncadd.remote.s32 $0x1  }
0x35: {  	_ =	sfence.sel $0xFFFF  }
0x36: {  	[dreg:$0x0] =	wrdreg $0xFFFFFFFF;
	(pc) =	sbr.abs _section_cstart, $3  }
0x37: {  	[dreg:$0x1] =	wrdreg $0xFFFFFFFF  }
0x38: {  	_ =	task.clear_ibuf [dreg:s6], $0x2FFFF;
	_ =	strace $0x9FFFFFFF  }
0x39: {  	(tm) =	ssettm $0x7FFFFFFF  }
tec
execute0_lowered:
.L_overlay_start_1:
0x0: {  	(tag) =	ssettag $0x1  }
0x1: {  	s1 =	rddreg [dreg:$0x0]  }
0x2: {  	s0 =	rddreg [dreg:$0x1];
	_ =	strace $0x80000047  }
0x3: {  	s4 =	srdreg.scid;
	s6 =	simm.s32 $0x2;
	s17 =	simm.s32 $0x0  }
0x4: {  	p0 =	por $0x0, $0x0;
	s16 =	simm.s32 $0x0;
	s18 =	simm.s32 $0x0  }
0x5: {  	s19 =	simm.s32 $0x0;
	s7 =	simm.s32 $0x0;
	s8 =	simm.s32 $0x0  }
0x6: {  	s10 =	simm.s32 $0x0;
	s11 =	simm.s32 $0x0;
	s12 =	simm.s32 $0x0  }
.Ltmp0:
0x7: {  	s13 =	simm.s32 $0x0;
	s14 =	simm.s32 $0x0;
	(pc) =	sbr.rel .LBB1_1-.Ltmp0, $4  }
0x8: {  	s2 =	sadd.s32 $0x393400, s1;
	s3 =	sadd.s32 $0x4D3400, s1;
	s4 =	sshll.u32 s4, $0x4  }
0x9: {  	s1 =	stileid.u32;
	s5 =	sand.u32 $0x10, s4;
	s4 =	simm.s32 $0x1  }
0xa: {  	s9 =	simm.s32 $0x0;
	s5 =	sor.u32 s1, s5;
	[sflag:s4] =	ssyncpa.u1 $0x0  }
0xb: {  	[sflag:s6] =	ssyncpa.u1 $0x0;
	s6 =	simm.s32 $0x80;
	s15 =	smov.u32 s5  }
.LBB1_5:
0xc: {  	p1 =	slt.u32 s9, $0x2;
	s20 =	smov.u32 s19  }
0xd: {  	s23 =	smov.u32 s15;
	s9 =	sadd.s32 $0x1, s9;
	p2 =	sgt.s32 @!p1 s19, $0x1F  }
0xe: {  	p0 =	por !p0, !p0;
	s21 =	sshra.s32 @!p1 s19, $0x1F;
	p2 =	por !p2, p1  }
0xf: {  	s22 =	sshra.s32 @!p1 s18, $0x1F;
	s19 =	sand.u32 @!p1 s21, s19;
	s20 =	simm.s32 @p2 $0x1F  }
0x10: {  	s21 =	smov.u32 s18;
	p2 =	sgt.s32 @!p1 s18, $0x7;
	s19 =	ssub.s32 @!p1 s20, s19  }
0x11: {  	s18 =	sand.u32 @!p1 s22, s18;
	p2 =	por !p2, p1;
	s20 =	sadd.s32 @!p1 $0xFFFFFFE1, s19  }
0x12: {  	s21 =	simm.s32 @p2 $0x7;
	s19 =	ssub.s32 @!p1 $0x20, s19;
	p3 =	sgt.s32 @!p1 s20, $0x0  }
0x13: {  	s18 =	ssub.s32 @!p1 s21, s18;
	s21 =	sshra.s32 @!p1 s17, $0x1F;
	p2 =	por !p3, p1  }
0x14: {  	s20 =	sadd.s32 @!p1 $0xFFFFFFF9, s18;
	s18 =	ssub.s32 @!p1 $0x8, s18;
	p3 =	sgt.s32 @!p1 s17, $0x1E0  }
0x15: {  	s19 =	simm.s32 @!p2 $0x0;
	p2 =	sgt.s32 @!p1 s20, $0x0;
	p3 =	por !p3, p1  }
0x16: {  	s20 =	smov.u32 s17;
	s17 =	sand.u32 @!p1 s21, s17;
	s21 =	sshra.s32 @!p1 s16, $0x1F  }
0x17: {  	p2 =	por !p2, p1;
	s20 =	simm.s32 @p3 $0x1E0;
	p3 =	sgt.s32 @!p1 s16, $0x40  }
0x18: {  	s17 =	ssub.s32 @!p1 s20, s17;
	p3 =	por !p3, p1;
	s20 =	smov.u32 s16  }
0x19: {  	s18 =	simm.s32 @!p2 $0x0;
	s16 =	sand.u32 @!p1 s21, s16;
	s20 =	simm.s32 @p3 $0x40  }
0x1a: {  	s18 =	smul.u32 @!p1 s19, s18;
	s19 =	sadd.s32 @!p1 $0xFFFFFE20, s17;
	s16 =	ssub.s32 @!p1 s20, s16  }
0x1b: {  	s21 =	smov.u32 s13;
	p2 =	sgt.s32 @!p1 s19, $0x7F;
	s19 =	sadd.s32 @!p1 $0xFFFFFFC0, s16  }
0x1c: {  	s20 =	sadd.s32 $0x80, s12;
	s16 =	ssub.s32 @!p1 $0x80, s16;
	p3 =	sgt.s32 @!p1 s19, $0x3F  }
0x1d: {  	p4 =	sgt.s32 s20, $0x25F;
	s19 =	sadd.s32 $0x40, s13;
	p3 =	por !p3, p1  }
0x1e: {  	s24 =	simm.s32 @!p1 $0x2;
	s21 =	smov.u32 @p4 s19;
	s16 =	simm.s32 @!p3 $0x0  }
0x1f: {  	p3 =	sgt.s32 s21, $0x3F;
	s16 =	smul.u32 @!p1 s16, s18;
	s18 =	simm.s32 $0x1  }
0x20: {  	s17 =	ssub.s32 @!p1 $0x260, s17;
	p2 =	por !p2, p1;
	s18 =	simm.s32 @!p3 $0x0  }
0x21: {  	s17 =	simm.s32 @!p2 $0x0;
	s20 =	simm.s32 @p4 $0x0;
	s22 =	sadd.s32 s18, s14  }
0x22: {  	s16 =	smul.u32 @!p1 s17, s16;
	s17 =	sadd.s32 $0x20, s15;
	p2 =	sgt.s32 s22, $0x7  }
0x23: {  	s19 =	smov.u32 s11;
	s11 =	smov.u32 s15;
	s23 =	smov.u32 @p2 s17  }
0x24: {  	s21 =	simm.s32 @p3 $0x0;
	s22 =	simm.s32 @p2 $0x0;
	p2 =	sgt.s32 s23, $0x1F  }
0x25: {  	s18 =	smov.u32 s10;
	s23 =	smov.u32 @p2 s5;
	p2 =	sne.s32 s9, $0x2A  }
.Ltmp1:
0x26: {  	s10 =	smov.u32 s14;
	s16 =	sand.u32 @!p1 $0x3FFFFFFF, s16;
	(pc) =	sbr.rel @!p2 .LBB1_6-.Ltmp1, $4  }
0x27: {  	s17 =	smov.u32 s7;
	s7 =	smov.u32 s12;
	s12 =	smov.u32 s20  }
0x28: {  	_ =	swait.ge @!p1 [sflag:s24], s16;
	s25 =	ssub.s32 @!p1 $0x0, s16;
	s16 =	smov.u32 s8  }
0x29: {  	s8 =	smov.u32 s13;
	s13 =	smov.u32 s21;
	[sflag:s24] =	ssyncset.done @!p1 $0x0  }
0x2a: {  	s14 =	smov.u32 s22;
	[sflag:s24] =	ssyncadd.s32 @!p1 s25;
	s15 =	smov.u32 s23  }
.LBB1_1:
0x2b: {  	p1 =	sgt.u32 s9, $0x27  }
0x2c: {  	s20 =	sshrl.u32 @!p1 s13, $0x3  }
0x2d: {  	s21 =	sshll.u32 @!p1 s12, $0x3;
	s20 =	smul.u32 @!p1 $0x1400, s20  }
0x2e: {  	s22 =	sshll.u32 @!p1 s13, $0x7;
	s21 =	sand.u32 @!p1 $0xFFFFFC00, s21  }
0x2f: {  	s20 =	sadd.s32 @!p1 s20, s21;
	s21 =	sand.u32 @!p1 $0x380, s22  }
0x30: {  	s22 =	sand.u32 @!p1 $0x7F, s12;
	s20 =	sor.u32 @!p1 s21, s20  }
0x31: {  	s21 =	sor.u32 @!p1 s22, s20  }
0x32: {  	s22 =	smulhi.u32 @!p1 $0xCCCCCCCD, s21  }
0x33: {  	s20 =	smulhi.u32 @!p1 $0xCCCCCCCD, s20  }
0x34: {  	s24 =	smul.u32 @!p1 $0xA000, s15;
	s22 =	sshrl.u32 @!p1 s22, $0x9  }
0x35: {  	s23 =	sxor.u32 @!p1 $0xFFFFFFFF, s9;
	s20 =	sshrl.u32 @!p1 s20, $0x9;
	s22 =	smul.u32 @!p1 $0x280, s22  }
0x36: {  	s25 =	smul.u32 @!p1 $0x1400, s14;
	s23 =	sshll.u32 @!p1 s23, $0xD;
	s20 =	sand.u32 @!p1 $0x3F, s20  }
0x37: {  	s20 =	smul.u32 @!p1 $0x50, s20;
	s21 =	ssub.s32 @!p1 s21, s22;
	s22 =	sadd.s32 @!p1 s2, s24  }
0x38: {  	s23 =	sand.u32 @!p1 $0x2000, s23;
	s22 =	sadd.s32 @!p1 s25, s22;
	s24 =	sand.u32 @!p1 $0x7, s21  }
0x39: {  	s21 =	sshrl.u32 @!p1 s21, $0x3;
	s20 =	sadd.s32 @!p1 s20, s22;
	s22 =	sshll.u32 @!p1 s24, $0x12  }
0x3a: {  	s20 =	sadd.s32 @!p1 s21, s20;
	s21 =	sor.u32 @!p1 $0x400, s22;
	s22 =	simm.s32 @!p1 $0x1400  }
0x3b: {  	[tilespmem:s23], [sflag:$0x1] =	stream.strided.gather @!p1 [hbm4b:s20+s21], $0x2000, s22, s21, $0x38;
	[tilespmem:$0x8100] =	vst v63  }
0x3c: {  	p1 =	seq.s32 s9, $0x0  }
0x3d: {  	p2 =	seq.s32 @!p1 s9, $0x29  }
0x3e: {  	p1 =	por p1, p2  }
.Ltmp2:
0x3f: {  	_ = 	snop;
	(pc) =	sbr.rel @p1 .LBB1_5-.Ltmp2, $1  }
0x40: {  	_ =	sdelay $0x3  }
0x41: {  	s20 =	simm.s32 $0x1  }
0x42: {  	_ =	swait.ge [sflag:s4], $0x2000;
	s20 =	simm.s32 @!p0 $0x0  }
0x43: {  	[sflag:s4] =	ssyncset.done $0x0;
	s21 =	sshll.u32 s20, $0xD  }
0x44: {  	[sflag:s4] =	ssyncadd.s32 $0xFFFFE000;
	s21 =	sor.u32 $0x40, s21  }
0x45: {  	s20 =	smul.u32 $0x8200, s20;
	v0 =	vld [tilespmem:s21+$0x30]  }
0x46: {  	v1 =	vld [tilespmem:s21+$0xFFFFFFD0]  }
0x47: {  	s20 =	sshrl.u32 s20, $0x2;
	v5 =	vld [tilespmem:s21+$0xFFFFFFE0]  }
0x48: {  	v6 =	vld [tilespmem:s21+$0xFFFFFFF0];
	s23 =	sor.u32 $0x4000, s20  }
0x49: {  	s31 =	sand.u32 $0x1, s9;
	v4 =	vld [tilespmem:s21+$0x0];
	s22 =	sadd.s32 $0x0, s23  }
0x4a: {  	v3 =	vld [tilespmem:s21+$0x10];
	s20 =	smul.u32 $0x8200, s31;
	[tilespmem:s22+$0x1C70 ss:$0x41] =	vst.msk $0xffff, v0  }
0x4b: {  	v2 =	vld [tilespmem:s21+$0x20];
	[tilespmem:s22+$0x410 ss:$0x41] =	vst.msk $0xffff, v1  }
0x4c: {  	s20 =	sshrl.u32 s20, $0x2;
	v1 =	vld [tilespmem:s21+$0xFFFFFFC0];
	[tilespmem:s22+$0x820 ss:$0x41] =	vst.msk $0xffff, v5;
	s21 =	sadd.s32 $0x80, s21  }
0x4d: {  	s24 =	simm.s32 $0x4;
	s25 =	simm.s32 $0x8;
	s20 =	sor.u32 $0x4000, s20;
	[tilespmem:s22+$0xC30 ss:$0x41] =	vst.msk $0xffff, v6;
	v0 =	vld [tilespmem:s21+$0x30]  }
.LBB1_3:
0x4e: {  	p1 =	sne.s32 s25, $0xFC;
	v5 =	vld [tilespmem:s21+$0xFFFFFFD0];
	[tilespmem:s22+$0x1040 ss:$0x41] =	vst.msk $0xffff, v4  }
0x4f: {  	v6 =	vld [tilespmem:s21+$0xFFFFFFE0];
	[tilespmem:s22+$0x1450 ss:$0x41] =	vst.msk $0xffff, v3  }
0x50: {  	s26 =	sshra.s32 s24, $0x2;
	s24 =	smov.u32 s25;
	v7 =	vld [tilespmem:s21+$0xFFFFFFF0];
	[tilespmem:s22+$0x1860 ss:$0x41] =	vst.msk $0xffff, v2  }
.Ltmp3:
0x51: {  	v4 =	vld [tilespmem:s21+$0x0];
	[tilespmem:s22+$0x0 ss:$0x41] =	vst.msk $0xffff, v1;
	s22 =	sadd.s32 s26, s23;
	(pc) =	sbr.rel @p1 .LBB1_3-.Ltmp3, $4  }
0x52: {  	v3 =	vld [tilespmem:s21+$0x10];
	[tilespmem:s22+$0x1C70 ss:$0x41] =	vst.msk $0xffff, v0  }
0x53: {  	[tilespmem:s22+$0x410 ss:$0x41] =	vst.msk $0xffff, v5;
	v2 =	vld [tilespmem:s21+$0x20]  }
0x54: {  	v1 =	vld [tilespmem:s21+$0xFFFFFFC0];
	[tilespmem:s22+$0x820 ss:$0x41] =	vst.msk $0xffff, v6;
	s21 =	sadd.s32 $0x80, s21  }
0x55: {  	s25 =	sadd.s32 $0x4, s25;
	v0 =	vld [tilespmem:s21+$0x30];
	[tilespmem:s22+$0xC30 ss:$0x41] =	vst.msk $0xffff, v7  }
0x56: {  	s25 =	sshll.u32 s7, $0x7  }
0x57: {  	s26 =	sshll.u32 s8, $0x3;
	p1 =	sgt.s32 s11, $0x1F;
	s28 =	sshra.s32 s11, $0x1F  }
0x58: {  	p2 =	sgt.s32 s10, $0x7;
	s29 =	sshra.s32 s10, $0x1F;
	s31 =	sshra.s32 s8, $0x1F  }
0x59: {  	s24 =	sshra.s32 s24, $0x2;
	s27 =	sand.u32 $0xFFFFFC00, s25;
	s26 =	sand.u32 $0xFFFFFC00, s26  }
0x5a: {  	s25 =	sand.u32 $0x380, s25;
	s28 =	sand.u32 s28, s11;
	s30 =	sand.u32 s29, s10  }
0x5b: {  	s29 =	sand.u32 s31, s8;
	s26 =	sadd.s32 s26, s27;
	s27 =	smov.u32 s11  }
0x5c: {  	s23 =	sadd.s32 s24, s23;
	s27 =	simm.s32 @!p1 $0x1F;
	s25 =	sor.u32 s25, s26  }
0x5d: {  	s26 =	ssub.s32 s27, s28;
	s28 =	smov.u32 s10;
	s25 =	sshrl.u32 s25, $0x7  }
0x5e: {  	s27 =	sadd.s32 $0xFFFFFFE1, s26;
	s28 =	simm.s32 @!p2 $0x7;
	p2 =	sgt.s32 s8, $0x40  }
0x5f: {  	p1 =	sgt.s32 s27, $0x0;
	s27 =	ssub.s32 s28, s30;
	s28 =	smov.u32 s8  }
0x60: {  	s26 =	ssub.s32 $0x20, s26;
	s30 =	sadd.s32 $0xFFFFFFF9, s27;
	s28 =	simm.s32 @!p2 $0x40  }
0x61: {  	s27 =	ssub.s32 $0x8, s27;
	s26 =	simm.s32 @p1 $0x0;
	p1 =	sgt.s32 s7, $0x1E0  }
0x62: {  	v5 =	vld [tilespmem:s21+$0xFFFFFFD0];
	[tilespmem:s22+$0x1040 ss:$0x41] =	vst.msk $0xffff, v4;
	p2 =	sgt.s32 s30, $0x0;
	s28 =	ssub.s32 s28, s29;
	s29 =	smulhi.u32 $0x6BCA1B, s25  }
0x63: {  	v58 =	vld [tilespmem:s21+$0xFFFFFFE0];
	[tilespmem:s22+$0x1450 ss:$0x41] =	vst.msk $0xffff, v3;
	s30 =	sshra.s32 s7, $0x1F;
	s27 =	simm.s32 @p2 $0x0;
	s31 =	sadd.s32 $0xFFFFFFC0, s28  }
0x64: {  	v59 =	vld [tilespmem:s21+$0xFFFFFFF0];
	[tilespmem:s22+$0x1860 ss:$0x41] =	vst.msk $0xffff, v2;
	s24 =	smul.u32 s26, s27;
	s27 =	smov.u32 s7;
	p2 =	sgt.s32 s31, $0x3F  }
0x65: {  	v60 =	vld [tilespmem:s21+$0x0];
	[tilespmem:s22+$0x0 ss:$0x41] =	vst.msk $0xffff, v1;
	s31 =	sand.u32 s30, s7;
	s26 =	ssub.s32 $0x80, s28;
	s28 =	smul.u32 $0x260, s29  }
0x66: {  	v61 =	vld [tilespmem:s21+$0x10];
	[tilespmem:s23+$0x1C70 ss:$0x41] =	vst.msk $0xffff, v0;
	s30 =	smul.u32 $0x13000, s11;
	s27 =	simm.s32 @!p1 $0x1E0;
	s26 =	simm.s32 @p2 $0x0  }
0x67: {  	v62 =	vld [tilespmem:s21+$0x20];
	[tilespmem:s23+$0x410 ss:$0x41] =	vst.msk $0xffff, v5;
	s22 =	ssub.s32 s27, s31;
	s24 =	smul.u32 s26, s24;
	s25 =	ssub.s32 s25, s28  }
0x68: {  	v63 =	vld [tilespmem:s21+$0xFFFFFFC0];
	[tilespmem:s23+$0x820 ss:$0x41] =	vst.msk $0xffff, v58;
	s31 =	smul.u32 $0x2600, s10;
	s27 =	sshrl.u32 s8, $0x3;
	s29 =	sadd.s32 $0xFFFFFE20, s22  }
0x69: {  	[tilespmem:s23+$0xC30 ss:$0x41] =	vst.msk $0xffff, v59;
	s28 =	sand.u32 $0x7, s8;
	s21 =	ssub.s32 $0x260, s22;
	p1 =	sgt.s32 s29, $0x7F  }
.Ltmp4:
0x6a: {  	[tilespmem:s23+$0x1040 ss:$0x41] =	vst.msk $0xffff, v60;
	s22 =	sadd.s32 s3, s30;
	s21 =	simm.s32 @p1 $0x0;
	(pc) =	sbr.rel .LBB1_5-.Ltmp4, $4  }
0x6b: {  	[tilespmem:s23+$0x1450 ss:$0x41] =	vst.msk $0xffff, v61;
	s22 =	sadd.s32 s31, s22;
	s21 =	smul.u32 s21, s24;
	s24 =	sand.u32 $0xF, s27  }
0x6c: {  	[tilespmem:s23+$0x1860 ss:$0x41] =	vst.msk $0xffff, v62;
	s30 =	sshll.u32 s28, $0x12;
	s29 =	sshll.u32 s25, $0x4;
	s22 =	sadd.s32 s24, s22  }
0x6d: {  	[tilespmem:s23+$0x0 ss:$0x41] =	vst.msk $0xffff, v63;
	s31 =	sor.u32 $0x40, s30;
	s21 =	sand.u32 $0x3FFFFFFF, s21;
	s22 =	sadd.s32 s29, s22  }
0x6e: {  	[hbm4b:s22+s31] =	stream.strided.scatter [tilespmem:s20], [sflag:$0x2], s21, s6, s31, $0x18;
	[tilespmem:$0x8100] =	vst v63  }
.LBB1_6:
0x6f: {  	_ =	sfence.sel $0x180000  }
0x70: {  	s2 =	simm.s32 $0x1;
	[bflag:$0x0] =	sbarrier.arrive $0xFFFF  }
0x71: {  	s31 =	simm.s32 $0x2;
	[sflag:s2] =	ssyncpa.u1 $0x1  }
0x72: {  	[sflag:s31] =	ssyncpa.u1 $0x1  }
0x73: {  	p0 =	sne.s32 s1, $0x0;
	_ =	strace $0x90000047  }
0x74: {  	s0 =	sadd.s32 @!p0 $0x100000, s0;
	[bflag:$0x2] =	sbarrier.arrive $0xFFFF  }
0x75: {  	[sflag:s0] =	ssyncadd.tile.s32 @!p0 $0x1;
	_ =	shalt  }
.Lfunc_end1:
_tile_overlayer_lowered:
.L_overlay_start_2:
0x76: {  	(tag) =	ssettag $0x2  }
0x77: {  	s0 =	rddreg [dreg:$0x0];
	s2 =	stileid.u32  }
0x78: {  	s1 =	rddreg [dreg:$0x1];
	p0 =	sne.s32 s2, $0x0  }
0x79: {  	s3 =	rddreg [dreg:$0x2];
	[bflag:$0x3] =	sbarrier.arrive $0xFFFF;
	s2 =	simm.s32 @!p0 $0x1C01  }
0x7a: {  	[timem:s3], [sflag:s2] =	dma.local @!p0 [hbm:s0], s1  }
0x7b: {  	s0 =	simm.s32 @!p0 $0x1  }
0x7c: {  	_ =	swait.ge @!p0 [sflag:s0], s1  }
0x7d: {  	s1 =	ssub.s32 @!p0 $0x0, s1;
	[sflag:s0] =	ssyncset.done @!p0 $0x0  }
0x7e: {  	[sflag:s0] =	ssyncadd.s32 @!p0 s1  }
0x7f: {  	[bflag:$0x3] =	sbarrier.arrive $0xFFFF  }
0x80: {  	_ =	shalt  }

// kernel: sparse-core-data-format-call.cloned.1.call-start
scs
called_computation_lowered:
.L_overlay_start_0:
0x0: {  	s1 =	sld [smem:$0x3FD9]  }
0x1: {  	s2 =	sld [smem:$0x3FFE];
	_ =	sdelay $0x1  }
0x2: {  	s3 =	srdreg.scid  }
0x3: {  	s0 =	sand.u32 $0x1, s3  }
0x4: {  	s17 =	sshll.u32 s0, $0xA;
	s1 =	sadd.s32 s2, s1  }
0x5: {  	s1 =	sadd.s32 s1, s17  }
0x6: {  	[smem:$0x3FA4] =	sst s1  }
0x7: {  	_ = 	snop  }
0x8: {  	(tm) =	ssettm $0x1  }
0x9: {  	s18 =	sld [smem:$0x3FFB];
	_ =	sdelay $0x3  }
0xa: {  	_ =	strace s18  }
0xb: {  	s1 =	sld [smem:$0x3FFC];
	_ =	sdelay $0x3  }
0xc: {  	_ =	strace s1  }
0xd: {  	s1 =	sld [smem:$0x3FFD];
	_ =	sdelay $0x3  }
0xe: {  	_ =	strace s1  }
0xf: {  	_ =	strace $0x8FFFFFFF  }
0x10: {  	s19 =	sld [smem:$0x3FDB];
	_ =	sdelay $0x1  }
0x11: {  	s20 =	simm.s32 $_scs_section_size  }
0x12: {  	s4 =	simm.s32 $_size__tile_overlayer_lowered;
	s5 =	simm.s32 $_tile_overlayer_lowered  }
0x13: {  	s23 =	simm.s32 $0x1BFF;
	s22 =	sshll.u32 s5, $0x1;
	s1 =	sadd.s32 s20, s19  }
0x14: {  	s6 =	simm.s32 $0x0;
	s21 =	sshll.u32 s4, $0x1;
	s4 =	sadd.s32 s22, s1  }
0x15: {  	[timem:s6], [sflag:s23] =	dma.local [hbm:s4], s21  }
0x16: {  	_ =	swait.ge [sflag:s23], s21  }
0x17: {  	s2 =	ssub.s32 $0x0, s21;
	[sflag:s23] =	ssyncset.done $0x0  }
0x18: {  	[sflag:s23] =	ssyncadd.s32 s2;
	_ =	sdelay $0x1  }
0x19: {  	s24 =	simm.s32 $0x1B8B  }
0x1a: {  	_ =	swait.ge [sflag:s24], $0x1  }
0x1b: {  	[sflag:s24] =	ssyncset.done $0x0  }
0x1c: {  	s26 =	simm.s32 $0x1B8E;
	s25 =	sld [smem:$0x3FFE];
	[sflag:s24] =	ssyncadd.s32 $0xFFFFFFFF  }
0x1d: {  	s27 =	simm.s32 $execute0_lowered;
	[smem:$0x3FD2] =	sst s26  }
0x1e: {  	s4 =	sshll.u32 s27, $0x1;
	_ =	strace $0x80000055;
	[dreg:$0x1] =	wrdreg $0xFFFFFFFF  }
0x1f: {  	s28 =	simm.s32 $_size_execute0_lowered;
	s1 =	sadd.s32 s1, s4;
	[dreg:$0x0] =	wrdreg $0x0  }
0x20: {  	s4 =	sshll.u32 s28, $0x1;
	[dreg:$0x2] =	wrdreg s1  }
0x21: {  	[dreg:$0x3] =	wrdreg s4  }
0x22: {  	[dreg:$0x4] =	wrdreg $0xC0  }
0x23: {  	_ =	task [dreg:s6], $0x5FFFF  }
0x24: {  	[dreg:$0x1] =	wrdreg $0xFFFFFFFF  }
0x25: {  	[dreg:$0x0] =	wrdreg $0x60  }
0x26: {  	[dreg:$0x2] =	wrdreg s25  }
0x27: {  	[dreg:$0x3] =	wrdreg $0x9  }
0x28: {  	_ =	task.clear_ibuf [dreg:s6], $0x4FFFF;
	_ =	strace $0x90000055  }
0x29: {  	s29 =	simm.s32 $0x9;
	_ =	strace $0x80000057  }
0x2a: {  	_ =	swait.ge [sflag:s29], $0x1  }
0x2b: {  	[sflag:s29] =	ssyncadd.s32 $0xFFFFFFFF  }
0x2c: {  	_ =	strace $0x90000057  }
0x2d: {  	_ =	sfence  }
0x2e: {  	s30 =	sld [smem:$0x0];
	_ =	sdelay $0x2  }
0x2f: {  	s31 =	sshll.u32 s3, $0xD;
	s3 =	sshrl.u32 s3, $0x2  }
0x30: {  	s2 =	sand.u32 $0x4000, s31;
	s1 =	sadd.s32 s3, s30  }
0x31: {  	s0 =	sor.u32 s2, s0;
	s1 =	sshll.u32 s1, $0x11  }
0x32: {  	s0 =	sor.u32 s1, s0  }
0x33: {  	s0 =	sadd.s32 $0x8F2B, s0  }
0x34: {  	[sflag:s0] =	ssyncadd.remote.s32 $0x1  }
0x35: {  	_ =	sfence.sel $0xFFFF  }
0x36: {  	[dreg:$0x0] =	wrdreg $0xFFFFFFFF;
	(pc) =	sbr.abs _section_cstart, $3  }
0x37: {  	[dreg:$0x1] =	wrdreg $0xFFFFFFFF  }
0x38: {  	_ =	task.clear_ibuf [dreg:s6], $0x2FFFF;
	_ =	strace $0x9FFFFFFF  }
0x39: {  	(tm) =	ssettm $0x7FFFFFFF  }
tec
execute0_lowered:
.L_overlay_start_1:
0x0: {  	(tag) =	ssettag $0x1  }
0x1: {  	s1 =	rddreg [dreg:$0x0]  }
0x2: {  	s0 =	rddreg [dreg:$0x1];
	_ =	strace $0x80000056  }
0x3: {  	s4 =	srdreg.scid;
	s6 =	simm.s32 $0x2;
	s13 =	simm.s32 $0x0  }
0x4: {  	p0 =	por $0x0, $0x0;
	s11 =	simm.s32 $0x0;
	s12 =	simm.s32 $0x0  }
.Ltmp0:
0x5: {  	s8 =	simm.s32 $0x0;
	s9 =	simm.s32 $0x0;
	(pc) =	sbr.rel .LBB1_1-.Ltmp0, $4  }
0x6: {  	s2 =	sadd.s32 $0x263400, s1;
	s3 =	sadd.s32 $0x4C3400, s1;
	s4 =	sshll.u32 s4, $0x4  }
0x7: {  	s1 =	stileid.u32;
	s5 =	sand.u32 $0x10, s4;
	s4 =	simm.s32 $0x1  }
0x8: {  	s7 =	simm.s32 $0x0;
	s5 =	sor.u32 s1, s5;
	[sflag:s4] =	ssyncpa.u1 $0x0  }
0x9: {  	[sflag:s6] =	ssyncpa.u1 $0x0;
	s6 =	simm.s32 $0x1400;
	s10 =	smov.u32 s5  }
.LBB1_5:
0xa: {  	s14 =	sadd.s32 $0x80, s8  }
0xb: {  	s11 =	simm.s32 $0x1;
	p2 =	sgt.s32 s14, $0x25F  }
0xc: {  	s11 =	simm.s32 @!p2 $0x0  }
0xd: {  	s15 =	sadd.s32 s11, s9  }
0xe: {  	s17 =	smov.u32 s10;
	s11 =	sadd.s32 $0x20, s10;
	p3 =	sgt.s32 s15, $0x7  }
0xf: {  	p1 =	slt.u32 s7, $0x2;
	s17 =	smov.u32 @p3 s11  }
0x10: {  	s7 =	sadd.s32 $0x1, s7;
	s14 =	simm.s32 @p2 $0x0;
	p2 =	sgt.s32 s17, $0x1F  }
0x11: {  	s17 =	smov.u32 @p2 s5;
	p2 =	sne.s32 s7, $0x2A  }
.Ltmp1:
0x12: {  	s16 =	simm.s32 @!p1 $0x2;
	(pc) =	sbr.rel @!p2 .LBB1_6-.Ltmp1, $4  }
0x13: {  	s13 =	smov.u32 s8;
	_ =	swait.ge @!p1 [sflag:s16], $0x2000  }
0x14: {  	s12 =	smov.u32 s10;
	p0 =	por !p0, !p0;
	[sflag:s16] =	ssyncset.done @!p1 $0x0  }
0x15: {  	s8 =	smov.u32 s14;
	[sflag:s16] =	ssyncadd.s32 @!p1 $0xFFFFE000;
	s15 =	simm.s32 @p3 $0x0  }
0x16: {  	s11 =	smov.u32 s9;
	s9 =	smov.u32 s15;
	s10 =	smov.u32 s17  }
.LBB1_1:
0x17: {  	p1 =	sgt.u32 s7, $0x27  }
0x18: {  	s15 =	smov.u32 s10;
	s18 =	smov.u32 s9;
	p2 =	sgt.s32 @!p1 s10, $0x1F  }
0x19: {  	s14 =	sand.u32 @!p1 $0x1FFFFFF, s8;
	s17 =	sshra.s32 @!p1 s10, $0x1F;
	p2 =	por !p2, p1  }
0x1a: {  	s19 =	sshra.s32 @!p1 s9, $0x1F;
	s15 =	simm.s32 @p2 $0x1F;
	p2 =	sgt.s32 @!p1 s9, $0x7  }
0x1b: {  	s16 =	smulhi.u32 @!p1 $0x6BCA1B, s14;
	s17 =	sand.u32 @!p1 s17, s10;
	p2 =	por !p2, p1  }
0x1c: {  	s19 =	sand.u32 @!p1 s19, s9;
	s15 =	ssub.s32 @!p1 s15, s17;
	s18 =	simm.s32 @p2 $0x7  }
0x1d: {  	p2 =	sgt.s32 @!p1 s8, $0x1E0;
	s15 =	sadd.s32 @!p1 $0xFFFFFFE1, s15;
	s17 =	ssub.s32 @!p1 s18, s19  }
0x1e: {  	p2 =	por !p2, p1;
	s19 =	smov.u32 s8;
	s18 =	sadd.s32 @!p1 $0xFFFFFFF9, s17  }
0x1f: {  	s19 =	simm.s32 @p2 $0x1E0;
	p3 =	sgt.s32 @!p1 s18, $0x0;
	s18 =	sshra.s32 @!p1 s8, $0x1F  }
0x20: {  	p2 =	sgt.s32 @!p1 s15, $0x0;
	s15 =	sshll.u32 @!p1 s15, $0x6;
	s18 =	sand.u32 @!p1 s18, s8  }
0x21: {  	s17 =	ssub.s32 @!p1 $0x8, s17;
	s15 =	ssub.s32 @!p1 $0x40, s15;
	s18 =	ssub.s32 @!p1 s19, s18  }
0x22: {  	p2 =	por !p2, p1;
	p3 =	por !p3, p1;
	s19 =	sadd.s32 @!p1 $0xFFFFFE20, s18  }
0x23: {  	s15 =	simm.s32 @!p2 $0x0;
	s17 =	simm.s32 @!p3 $0x0;
	p3 =	sgt.s32 @!p1 s19, $0x7F  }
0x24: {  	s18 =	ssub.s32 @!p1 $0x260, s18;
	s15 =	smul.u32 @!p1 s17, s15;
	p2 =	por !p3, p1  }
0x25: {  	s16 =	smul.u32 @!p1 $0x260, s16;
	s18 =	simm.s32 @!p2 $0x0  }
0x26: {  	s15 =	smul.u32 @!p1 s18, s15  }
0x27: {  	s18 =	smul.u32 @!p1 $0x13000, s10  }
0x28: {  	s14 =	ssub.s32 @!p1 s14, s16;
	s17 =	sxor.u32 @!p1 $0xFFFFFFFF, s7;
	s19 =	smul.u32 @!p1 $0x2600, s9  }
0x29: {  	s14 =	sshll.u32 @!p1 s14, $0x4;
	s17 =	sshll.u32 @!p1 s17, $0xD;
	s16 =	sadd.s32 @!p1 s2, s18  }
0x2a: {  	s17 =	sand.u32 @!p1 $0x2000, s17;
	s15 =	sand.u32 @!p1 $0x3FFFFFC0, s15;
	s16 =	sadd.s32 @!p1 s19, s16  }
0x2b: {  	s18 =	simm.s32 @!p1 $0x80;
	s14 =	sadd.s32 @!p1 s14, s16;
	s16 =	simm.s32 @!p1 $0x40  }
0x2c: {  	[tilespmem:s17], [sflag:$0x1] =	stream.strided.gather @!p1 [hbm4b:s14+s16], s15, s18, s16, $0x38;
	[tilespmem:$0x8080] =	vst v63  }
0x2d: {  	p1 =	seq.s32 s7, $0x0  }
0x2e: {  	p2 =	seq.s32 @!p1 s7, $0x29  }
0x2f: {  	p1 =	por p1, p2  }
.Ltmp2:
0x30: {  	_ = 	snop;
	(pc) =	sbr.rel @p1 .LBB1_5-.Ltmp2, $1  }
0x31: {  	_ =	sdelay $0x3  }
0x32: {  	p1 =	sgt.s32 s12, $0x1F  }
0x33: {  	s14 =	smov.u32 s12;
	s15 =	sshra.s32 s12, $0x1F;
	s16 =	sshra.s32 s11, $0x1F  }
0x34: {  	p2 =	sgt.s32 s13, $0x1E0;
	s14 =	simm.s32 @!p1 $0x1F;
	s15 =	sand.u32 s15, s12  }
0x35: {  	s18 =	sshra.s32 s13, $0x1F;
	p1 =	sgt.s32 s11, $0x7;
	s14 =	ssub.s32 s14, s15  }
0x36: {  	s16 =	sand.u32 s16, s11;
	s15 =	smov.u32 s11;
	s14 =	sadd.s32 $0xFFFFFFE1, s14  }
0x37: {  	s26 =	sand.u32 s18, s13;
	s15 =	simm.s32 @!p1 $0x7;
	p1 =	sgt.s32 s14, $0x0  }
0x38: {  	s15 =	ssub.s32 s15, s16;
	s16 =	smov.u32 s13;
	s14 =	sshll.u32 s14, $0x6  }
0x39: {  	s17 =	sadd.s32 $0xFFFFFFF9, s15;
	s16 =	simm.s32 @!p2 $0x1E0;
	s15 =	ssub.s32 $0x8, s15  }
0x3a: {  	s14 =	ssub.s32 $0x40, s14;
	p2 =	sgt.s32 s17, $0x0;
	s16 =	ssub.s32 s16, s26  }
0x3b: {  	s14 =	simm.s32 @p1 $0x0;
	s15 =	simm.s32 @p2 $0x0;
	s17 =	sadd.s32 $0xFFFFFE20, s16  }
0x3c: {  	s16 =	ssub.s32 $0x260, s16;
	p1 =	sgt.s32 s17, $0x7F;
	s14 =	smul.u32 s15, s14  }
0x3d: {  	s16 =	simm.s32 @p1 $0x0  }
0x3e: {  	s14 =	smul.u32 s16, s14;
	_ =	sdelay $0x1  }
0x3f: {  	s15 =	simm.s32 $0x1;
	s14 =	sand.u32 $0x3FFFFFC0, s14  }
0x40: {  	s15 =	simm.s32 @!p0 $0x0;
	_ =	swait.ge [sflag:s4], s14  }
0x41: {  	s27 =	sshll.u32 s15, $0xD;
	s14 =	ssub.s32 $0x0, s14;
	[sflag:s4] =	ssyncset.done $0x0  }
0x42: {  	s28 =	sor.u32 $0x20, s27;
	[sflag:s4] =	ssyncadd.s32 s14  }
0x43: {  	s29 =	smul.u32 $0x8100, s15;
	v3 =	vld [tilespmem:s28+$0x10]  }
0x44: {  	s30 =	sand.u32 $0x1, s7;
	v2 =	vld [tilespmem:s28+$0xFFFFFFF0]  }
0x45: {  	s15 =	smul.u32 $0x8100, s30;
	s14 =	sshrl.u32 s29, $0x2;
	v0 =	vld [tilespmem:s28+$0x0]  }
0x46: {  	s16 =	sor.u32 $0x4000, s14;
	v1 =	vld [tilespmem:s28+$0xFFFFFFE0]  }
0x47: {  	s31 =	sshrl.u32 s15, $0x2;
	s15 =	sadd.s32 $0x0, s16  }
0x48: {  	s17 =	simm.s32 $0x4;
	s18 =	sadd.s32 $0x40, s28;
	s14 =	sor.u32 $0x4000, s31;
	[tilespmem:s15+$0x1830 ss:$0x81] =	vst.msk $0xffff, v3  }
.LBB1_3:
0x49: {  	v3 =	vld [tilespmem:s18+$0x10];
	p1 =	sne.s32 s17, $0x1FC;
	[tilespmem:s15+$0x810 ss:$0x81] =	vst.msk $0xffff, v2;
	s19 =	smov.u32 s17;
	s17 =	sadd.s32 $0x4, s17  }
.Ltmp3:
0x4a: {  	v2 =	vld [tilespmem:s18+$0xFFFFFFF0];
	[tilespmem:s15+$0x1020 ss:$0x81] =	vst.msk $0xffff, v0;
	(pc) =	sbr.rel @p1 .LBB1_3-.Ltmp3, $4  }
0x4b: {  	v0 =	vld [tilespmem:s18+$0x0];
	[tilespmem:s15+$0x0 ss:$0x81] =	vst.msk $0xffff, v1  }
0x4c: {  	s15 =	sshra.s32 s19, $0x2;
	v1 =	vld [tilespmem:s18+$0xFFFFFFE0]  }
0x4d: {  	s15 =	sadd.s32 s15, s16  }
0x4e: {  	s18 =	sadd.s32 $0x40, s18;
	[tilespmem:s15+$0x1830 ss:$0x81] =	vst.msk $0xffff, v3  }
0x4f: {  	s16 =	sshll.u32 s13, $0x3  }
0x50: {  	s30 =	sand.u32 $0x7F, s13;
	s16 =	sand.u32 $0xFFFFFC00, s16  }
0x51: {  	s13 =	sor.u32 s30, s16;
	s16 =	smulhi.u32 $0xCCCCCCCD, s16  }
0x52: {  	s17 =	smulhi.u32 $0xCCCCCCCD, s13  }
0x53: {  	s12 =	smul.u32 $0xA000, s12  }
0x54: {  	s11 =	smul.u32 $0x1400, s11;
	s16 =	sshrl.u32 s16, $0x9;
	s17 =	sshrl.u32 s17, $0x9  }
0x55: {  	s16 =	sand.u32 $0x3F, s16;
	s17 =	smul.u32 $0x280, s17  }
0x56: {  	s16 =	smul.u32 $0x50, s16  }
.Ltmp4:
0x57: {  	s12 =	sadd.s32 s3, s12;
	s13 =	ssub.s32 s13, s17;
	(pc) =	sbr.rel .LBB1_5-.Ltmp4, $4  }
0x58: {  	[tilespmem:s15+$0x810 ss:$0x81] =	vst.msk $0xffff, v2;
	s11 =	sadd.s32 s11, s12;
	s31 =	sand.u32 $0x7, s13  }
0x59: {  	[tilespmem:s15+$0x1020 ss:$0x81] =	vst.msk $0xffff, v0;
	s11 =	sadd.s32 s16, s11;
	s13 =	sshrl.u32 s13, $0x3;
	s12 =	sshll.u32 s31, $0x12  }
0x5a: {  	[tilespmem:s15+$0x0 ss:$0x81] =	vst.msk $0xffff, v1;
	s11 =	sadd.s32 s13, s11;
	s12 =	sor.u32 $0x400, s12  }
0x5b: {  	[hbm4b:s11+s12] =	stream.strided.scatter [tilespmem:s14], [sflag:$0x2], $0x2000, s6, s12, $0x20;
	[tilespmem:$0x8080] =	vst v63  }
.LBB1_6:
0x5c: {  	_ =	sfence.sel $0x180000  }
0x5d: {  	s2 =	simm.s32 $0x1;
	[bflag:$0x0] =	sbarrier.arrive $0xFFFF  }
0x5e: {  	s31 =	simm.s32 $0x2;
	[sflag:s2] =	ssyncpa.u1 $0x1  }
0x5f: {  	[sflag:s31] =	ssyncpa.u1 $0x1  }
0x60: {  	p0 =	sne.s32 s1, $0x0;
	_ =	strace $0x90000056  }
0x61: {  	s0 =	sadd.s32 @!p0 $0x100000, s0;
	[bflag:$0x2] =	sbarrier.arrive $0xFFFF  }
0x62: {  	[sflag:s0] =	ssyncadd.tile.s32 @!p0 $0x1;
	_ =	shalt  }
.Lfunc_end1:
_tile_overlayer_lowered:
.L_overlay_start_2:
0x63: {  	(tag) =	ssettag $0x2  }
0x64: {  	s0 =	rddreg [dreg:$0x0];
	s2 =	stileid.u32  }
0x65: {  	s1 =	rddreg [dreg:$0x1];
	p0 =	sne.s32 s2, $0x0  }
0x66: {  	s3 =	rddreg [dreg:$0x2];
	[bflag:$0x3] =	sbarrier.arrive $0xFFFF;
	s2 =	simm.s32 @!p0 $0x1C01  }
0x67: {  	[timem:s3], [sflag:s2] =	dma.local @!p0 [hbm:s0], s1  }
0x68: {  	s0 =	simm.s32 @!p0 $0x1  }
0x69: {  	_ =	swait.ge @!p0 [sflag:s0], s1  }
0x6a: {  	s1 =	ssub.s32 @!p0 $0x0, s1;
	[sflag:s0] =	ssyncset.done @!p0 $0x0  }
0x6b: {  	[sflag:s0] =	ssyncadd.s32 @!p0 s1  }
0x6c: {  	[bflag:$0x3] =	sbarrier.arrive $0xFFFF  }
0x6d: {  	_ =	shalt  }

</sc_bundles>
